<compile_context>
chip_gen: v7x
topology: tpu7x:2x2x1
jax: 0.10.2.dev20260603
libtpu: 0.0.44.dev20260713+nightly
codegen_flags: <defaults>
</compile_context>

<pallas_src>
import functools

import jax
import jax.numpy as jnp
from jax import lax
from jax.experimental import pallas as pl
from jax.experimental.pallas import tpu as pltpu
from jax.experimental.pallas import tpu_sc as plsc

_NG = 4
_D = 32
_E = 8
_OC = 16
_B = 64
_L = 4096
_LO = _L - 2
_GD = _NG * _OC
_KG = _D * 5
_NL = 16

_BB = 4


def _sc_gate_body(gxt_hbm, wgb_hbm, gates_hbm, gx_v, wg_v, gblk_v):
    c = lax.axis_index("c")
    s = lax.axis_index("s")
    g = 2 * c + s // 4
    chunk = s % 4
    zeros = jnp.zeros((_NL,), jnp.float32)

    @pl.when(s < 8)
    def _():
        pltpu.sync_copy(gxt_hbm.at[g, chunk], gx_v)
        pltpu.sync_copy(wgb_hbm.at[g], wg_v)

        def body(k, accs):
            xv = gx_v[pl.ds(k * _NL, _NL)]
            return tuple(
                accs[e] + wg_v[pl.ds((e * _KG + k) * _NL, _NL)] * xv
                for e in range(_E))

        logits = lax.fori_loop(
            0, _KG, body, tuple(zeros for _ in range(_E)))
        m = logits[0]
        for e in range(1, _E):
            m = jnp.maximum(m, logits[e])
        p = [jnp.exp(v - m) for v in logits]
        tot = p[0]
        for e in range(1, _E):
            tot = tot + p[e]
        p = [v / tot for v in p]
        first = p[0]
        i1 = jnp.zeros((_NL,), jnp.int32)
        second = jnp.full((_NL,), -1.0, jnp.float32)
        i2 = jnp.zeros((_NL,), jnp.int32)
        for e in range(1, _E):
            c1 = p[e] > first
            c2 = p[e] > second
            second_n = jnp.where(c1, first, jnp.where(c2, p[e], second))
            i2_n = jnp.where(c1, i1, jnp.where(c2, e, i2))
            first = jnp.where(c1, p[e], first)
            i1 = jnp.where(c1, e, i1)
            second = second_n
            i2 = i2_n
        denom = first + second + 1e-6
        g1 = first / denom
        g2 = second / denom
        for e in range(_E):
            gate_e = jnp.where(i1 == e, g1, jnp.where(i2 == e, g2, 0.0))
            gblk_v[e] = gate_e
        pltpu.sync_copy(gblk_v, gates_hbm.at[g, chunk])


def _cv2(v):
    mean = jnp.sum(v, axis=1, keepdims=True) / _E
    var = jnp.sum((v - mean) ** 2, axis=1, keepdims=True) / (_E - 1)
    return var / (mean * mean + 1e-10)


def _main_body(x_ref, w1_ref, b1_ref, w2blk_ref, b2f_ref, gsel_ref, g_ref,
               gfull_ref, out_ref, loss_ref):
    @pl.when(pl.program_id(0) == 0)
    def _():
        loss = jnp.zeros((1, 1), jnp.float32)
        for g in range(_NG):
            gg = gfull_ref[:, g, :]
            imp = jnp.sum(gg, axis=0, keepdims=True)
            load = jnp.sum((gg > 0.0).astype(jnp.float32), axis=0,
                           keepdims=True)
            loss = loss + (_cv2(imp) + _cv2(load)) * 0.01
        loss_ref[...] = loss
    for bb in range(_BB):
        x = x_ref[bb].astype(jnp.bfloat16)
        w1 = w1_ref[...].astype(jnp.bfloat16)
        y0 = jnp.dot(w1[0], x, preferred_element_type=jnp.float32)
        y1 = jnp.dot(w1[1], x, preferred_element_type=jnp.float32)
        y2 = jnp.dot(w1[2], x, preferred_element_type=jnp.float32)
        acc = (y0 + pltpu.roll(y1, _L - 1, 1) + pltpu.roll(y2, _L - 2, 1)
               + b1_ref[...])
        h = jnp.tanh(acc)
        gb = g_ref[bb]
        ge = jnp.dot(gsel_ref[...], gb, preferred_element_type=jnp.float32)
        w2bd = jnp.zeros((_GD, _GD), jnp.float32)
        for e in range(_E):
            w2bd = w2bd + w2blk_ref[e] * ge[:, e:e + 1]
        b2e = jnp.sum(b2f_ref[...] * ge, axis=1, keepdims=True)
        out = jnp.dot(w2bd, h, preferred_element_type=jnp.float32) + b2e
        out_ref[bb] = out[:, 0:_LO]


@functools.partial(jax.jit, static_argnames=("interpret",))
def _run(x, Wg, W1, b1, W2, b2, interpret=False):
    f32 = jnp.float32
    xs = jax.lax.slice_in_dim(x, _L - 6, _L - 1, axis=2)
    gxt = (xs.reshape(_B, _NG, _KG).transpose(1, 2, 0)
           .reshape(_NG, _KG, 4, _NL).transpose(0, 2, 1, 3)
           .reshape(_NG, 4, _KG * _NL))
    gxt = jax.lax.reduce_precision(gxt, exponent_bits=8, mantissa_bits=7)
    wgb = jnp.broadcast_to(
        Wg.transpose(0, 2, 1)[:, :, :, None],
        (_NG, _E, _KG, _NL)).reshape(_NG, _E * _KG * _NL)
    wgb = jax.lax.reduce_precision(wgb, exponent_bits=8, mantissa_bits=7)

    mesh = plsc.VectorSubcoreMesh(core_axis_name="c", subcore_axis_name="s")
    sc_gate = functools.partial(
        pl.kernel,
        out_type=jax.ShapeDtypeStruct((_NG, 4, _E, _NL), f32),
        mesh=mesh,
        scratch_types=[
            pltpu.VMEM((_KG * _NL,), f32),
            pltpu.VMEM((_E * _KG * _NL,), f32),
            pltpu.VMEM((_E, _NL), f32),
        ],
    )(_sc_gate_body)
    gates_sc = sc_gate(gxt, wgb)
    gates_t = gates_sc.transpose(1, 3, 0, 2).reshape(_B, _NG, _E)

    w1bd = jnp.zeros((3, _GD, _NG * _D), f32)
    for g in range(_NG):
        w1bd = jax.lax.dynamic_update_slice(
            w1bd, W1[g].transpose(2, 0, 1), (0, g * _OC, g * _D))
    b1f = b1.reshape(_GD, 1)
    w2r = W2[:, :, :, 0].reshape(_NG, _OC, _E, _OC)
    w2blk = jnp.zeros((_E, _GD, _GD), f32)
    for g in range(_NG):
        w2blk = jax.lax.dynamic_update_slice(
            w2blk, w2r[g].transpose(1, 0, 2), (0, g * _OC, g * _OC))
    b2f = b2.reshape(_NG, _OC, _E).reshape(_GD, _E)
    gsel = jnp.repeat(jnp.eye(_NG, dtype=f32), _OC, axis=0)

    out, loss = pl.pallas_call(
        _main_body,
        grid=(_B // _BB,),
        in_specs=[
            pl.BlockSpec((_BB, _NG * _D, _L), lambda b: (b, 0, 0)),
            pl.BlockSpec((3, _GD, _NG * _D), lambda b: (0, 0, 0)),
            pl.BlockSpec((_GD, 1), lambda b: (0, 0)),
            pl.BlockSpec((_E, _GD, _GD), lambda b: (0, 0, 0)),
            pl.BlockSpec((_GD, _E), lambda b: (0, 0)),
            pl.BlockSpec((_GD, _NG), lambda b: (0, 0)),
            pl.BlockSpec((_BB, _NG, _E), lambda b: (b, 0, 0)),
            pl.BlockSpec((_B, _NG, _E), lambda b: (0, 0, 0)),
        ],
        out_specs=(
            pl.BlockSpec((_BB, _GD, _LO), lambda b: (b, 0, 0)),
            pl.BlockSpec((1, 1), lambda b: (0, 0)),
        ),
        out_shape=(
            jax.ShapeDtypeStruct((_B, _GD, _LO), f32),
            jax.ShapeDtypeStruct((1, 1), f32),
        ),
        interpret=interpret,
    )(x, w1bd, b1f, w2blk, b2f, gsel, gates_t, gates_t)

    combine = out.reshape(_B, _NG, _OC, _LO)
    gates_all = gates_t.transpose(0, 2, 1)
    return combine, loss[0, 0], gates_all


def kernel(x, Wg, W1, b1, W2, b2):
    return _run(x, Wg, W1, b1, W2, b2)

# --- scband reference (transcript-rebuilt; emitter-appended) ---
"""Pipeline reference for scband-channel-embedding-38783554683258 (READ-ONLY COPY).

The authoritative reference and input builder live on the scoring server;
editing this copy changes nothing except your own understanding.
"""

import jax, jax.numpy as jnp
import numpy as np

NUM_GROUPS = 4
DIM = 32
E = 8
K = 2
OUT_C = 16
B = 64
L = 4096


def _cv_squared(v):
    v = v.astype(jnp.float32)
    return jnp.var(v, ddof=1) / (jnp.mean(v) ** 2 + 1e-10)


def _conv1d(x, w, b):
    # x: [B, C_in, L], w: [C_out, C_in, K] (OIH), valid padding, stride 1
    y = jax.lax.conv_general_dilated(
        x, w, window_strides=(1,), padding='VALID',
        dimension_numbers=('NCH', 'OIH', 'NCH'))
    return y + b[None, :, None]


def setup_inputs(seed: int = 0) -> dict:
    key = jax.random.key(seed)
    ks = jax.random.split(key, 6)
    x = jax.random.normal(ks[0], (B, NUM_GROUPS * DIM, L), dtype=jnp.float32)
    Wg = jax.random.normal(ks[1], (NUM_GROUPS, DIM * 5, E), dtype=jnp.float32) * 0.02
    W1 = jax.random.normal(ks[2], (NUM_GROUPS, OUT_C, DIM, 3), dtype=jnp.float32) * (1.0 / np.sqrt(DIM * 3))
    b1 = jax.random.normal(ks[3], (NUM_GROUPS, OUT_C), dtype=jnp.float32) * 0.01
    W2 = jax.random.normal(ks[4], (NUM_GROUPS, OUT_C * E, OUT_C, 1), dtype=jnp.float32) * (1.0 / np.sqrt(OUT_C))
    b2 = jax.random.normal(ks[5], (NUM_GROUPS, OUT_C * E), dtype=jnp.float32) * 0.01
    return {'x': x, 'Wg': Wg, 'W1': W1, 'b1': b1, 'W2': W2, 'b2': b2}


def reference(x, Wg, W1, b1, W2, b2):
    # Eval-mode (training=False): no gating noise; load = (gates > 0).sum(0)
    loss_coef = 0.01
    out_loss = jnp.float32(0.0)
    combine_list = []
    gates_list = []
    idx = 0
    for i in range(NUM_GROUPS):
        input_x = x[:, idx:idx + DIM, :]
        idx += DIM
        gate_in = input_x[:, :, -6:-1].reshape(B, DIM * 5)
        clean_logits = gate_in @ Wg[i]
        logits = jax.nn.softmax(clean_logits, axis=1)
        m = min(K + 1, E)
        top_logits, top_idx = jax.lax.top_k(logits, m)
        tk_logits = top_logits[:, :K]
        tk_idx = top_idx[:, :K]
        tk_gates = tk_logits / (jnp.sum(tk_logits, axis=1, keepdims=True) + 1e-6)
        gates = jnp.zeros((B, E), dtype=logits.dtype).at[jnp.arange(B)[:, None], tk_idx].set(tk_gates)
        load = (gates > 0).sum(0)
        importance = gates.sum(0)
        loss = (_cv_squared(importance) + _cv_squared(load)) * loss_coef
        out_loss = out_loss + loss
        h = jnp.tanh(_conv1d(input_x, W1[i], b1[i]))
        out_raw = _conv1d(h, W2[i], b2[i])  # [B, OUT_C*E, L-2]
        Lo = out_raw.shape[2]
        out_raw = jnp.transpose(out_raw, (0, 2, 1)).reshape(B, Lo, OUT_C, E)
        moe_out = jnp.einsum('BLDE,BE->BLD', out_raw, gates)
        moe_out = jnp.transpose(moe_out, (0, 2, 1))  # [B, OUT_C, Lo]
        combine_list.append(moe_out[:, None])
        gates_list.append(gates[..., None])
    combine_features = jnp.concatenate(combine_list, axis=1)  # [B, NUM_GROUPS, OUT_C, L-2]
    gates_all = jnp.concatenate(gates_list, axis=-1)          # [B, E, NUM_GROUPS]
    return (combine_features, out_loss, gates_all)

if __name__ == "__main__":
    import jax
    _d = setup_inputs()
    print(jax.jit(kernel)(*tuple(_d.values())))

</pallas_src>

<mosaic_0001>
#map = affine_map<(d0, d1) -> (0, 0, 0)>
#map1 = affine_map<(d0, d1) -> (0, 0)>
#map2 = affine_map<(d0, d1) -> (0, 0, 0, 0)>
module attributes {stable_mosaic.version = 14 : i64} {
  func.func @_sc_gate_body(%arg0: i32, %arg1: i32, %arg2: memref<4x4x2560xf32, #tpu.memory_space<hbm>>, %arg3: memref<4x20480xf32, #tpu.memory_space<hbm>>, %arg4: memref<4x4x8x16xf32, #tpu.memory_space<hbm>>, %arg5: memref<2560xf32, #tpu.memory_space<vmem>>, %arg6: memref<20480xf32, #tpu.memory_space<vmem>>, %arg7: memref<8x16xf32, #tpu.memory_space<vmem>>) attributes {dimension_semantics = [#tpu.dimension_semantics<core_parallel>, #tpu.dimension_semantics<subcore_parallel>], iteration_bounds = array<i64: 2, 16>, scalar_prefetch = 0 : i64, scratch_operands = 3 : i64, tpu.core_type = #tpu.core_type<sc_vector_subcore>, window_params = [{transform_indices = #map}, {transform_indices = #map1}, {transform_indices = #map2}]} {
    %mul3A = arith.constant 2 : i32
    %mul3A_0 = arith.muli %mul3A, %arg0 : i32
    %jit3A = arith.constant 4 : i32
    %div3A = arith.divsi %arg1, %jit3A : i32
    %sign3A = arith.constant 0 : i32
    %sign3A_1 = arith.cmpi sgt, %arg1, %sign3A : i32
    %sign3A_2 = arith.extui %sign3A_1 : i1 to i32
    %sign3A_3 = arith.constant 0 : i32
    %sign3A_4 = arith.cmpi slt, %arg1, %sign3A_3 : i32
    %sign3A_5 = arith.extui %sign3A_4 : i1 to i32
    %sign3A_6 = arith.subi %sign3A_2, %sign3A_5 : i32
    %sign3A_7 = arith.constant 0 : i32
    %sign3A_8 = arith.cmpi sgt, %jit3A, %sign3A_7 : i32
    %sign3A_9 = arith.extui %sign3A_8 : i1 to i32
    %sign3A_10 = arith.constant 0 : i32
    %sign3A_11 = arith.cmpi slt, %jit3A, %sign3A_10 : i32
    %sign3A_12 = arith.extui %sign3A_11 : i1 to i32
    %sign3A_13 = arith.subi %sign3A_9, %sign3A_12 : i32
    %ne3A = arith.cmpi ne, %sign3A_6, %sign3A_13 : i32
    %rem3A = arith.remsi %arg1, %jit3A : i32
    %ne3A_14 = arith.constant 0 : i32
    %ne3A_15 = arith.cmpi ne, %rem3A, %ne3A_14 : i32
    %and3A = arith.andi %ne3A, %ne3A_15 : i1
    %sub3A = arith.constant 1 : i32
    %sub3A_16 = arith.subi %div3A, %sub3A : i32
    %select_n3A = arith.select %and3A, %sub3A_16, %div3A : i32
    %add3A = arith.addi %mul3A_0, %select_n3A : i32
    %jit3A_17 = arith.constant 4 : i32
    %eq3A = arith.constant 0 : i32
    %eq3A_18 = arith.cmpi eq, %jit3A_17, %eq3A : i32
    %jit3A_19 = arith.constant 1 : i32
    %select_n3A_20 = arith.select %eq3A_18, %jit3A_19, %jit3A_17 : i32
    %rem3A_21 = arith.remsi %arg1, %select_n3A_20 : i32
    %ne3A_22 = arith.constant 0 : i32
    %ne3A_23 = arith.cmpi ne, %rem3A_21, %ne3A_22 : i32
    %lt3A = arith.constant 0 : i32
    %lt3A_24 = arith.cmpi slt, %rem3A_21, %lt3A : i32
    %lt3A_25 = arith.constant 0 : i32
    %lt3A_26 = arith.cmpi slt, %select_n3A_20, %lt3A_25 : i32
    %ne3A_27 = arith.xori %lt3A_24, %lt3A_26 : i1
    %and3A_28 = arith.andi %ne3A_27, %ne3A_23 : i1
    %add3A_29 = arith.addi %rem3A_21, %select_n3A_20 : i32
    %select_n3A_30 = arith.select %and3A_28, %add3A_29, %rem3A_21 : i32
    %broadcast_in_dim3A = arith.constant 0.000000e+00 : f32
    %broadcast_in_dim3A_31 = vector.broadcast %broadcast_in_dim3A : f32 to vector<16xf32>
    %lt3A_32 = arith.constant 8 : i32
    %lt3A_33 = arith.cmpi slt, %arg1, %lt3A_32 : i32
    %convert_element_type3A = arith.extui %lt3A_33 : i1 to i32
    %cond3A = arith.constant 0 : i32
    %cond3A_34 = arith.cmpi ne, %convert_element_type3A, %cond3A : i32
    scf.if %cond3A_34 {
      "tpu.region"() ({
        %run_scoped3A = tpu.sem_alloc : memref<!tpu.dma_semaphore, #tpu.memory_space<semaphore_mem>>
        %dma_start3A = arith.constant 0 : i32
        %dma_start3A_298 = tpu.memref_slice %arg2[%add3A, %select_n3A_30, %dma_start3A] : memref<4x4x2560xf32, #tpu.memory_space<hbm>> -> memref<1x1x2560xf32, #tpu.memory_space<hbm>>
        %dma_start3A_299 = tpu.memref_squeeze %dma_start3A_298 : memref<1x1x2560xf32, #tpu.memory_space<hbm>> -> memref<2560xf32, #tpu.memory_space<hbm>>
        %dma_start3A_300 = arith.constant 0 : i32
        %dma_start3A_301 = tpu.memref_slice %arg2[%add3A, %select_n3A_30, %dma_start3A_300] : memref<4x4x2560xf32, #tpu.memory_space<hbm>> -> memref<1x1x2560xf32, #tpu.memory_space<hbm>>
        %dma_start3A_302 = tpu.memref_squeeze %dma_start3A_301 : memref<1x1x2560xf32, #tpu.memory_space<hbm>> -> memref<2560xf32, #tpu.memory_space<hbm>>
        tpu.enqueue_dma source(%dma_start3A_302 : memref<2560xf32, #tpu.memory_space<hbm>>) target(%arg5 : memref<2560xf32, #tpu.memory_space<vmem>>) target_semaphore(%run_scoped3A : memref<!tpu.dma_semaphore, #tpu.memory_space<semaphore_mem>>)
        %dma_wait3A = arith.constant 0 : i32
        %dma_wait3A_303 = tpu.memref_slice %arg2[%add3A, %select_n3A_30, %dma_wait3A] : memref<4x4x2560xf32, #tpu.memory_space<hbm>> -> memref<1x1x2560xf32, #tpu.memory_space<hbm>>
        %dma_wait3A_304 = tpu.memref_squeeze %dma_wait3A_303 : memref<1x1x2560xf32, #tpu.memory_space<hbm>> -> memref<2560xf32, #tpu.memory_space<hbm>>
        %dma_wait3A_305 = arith.constant 0 : i32
        %dma_wait3A_306 = tpu.memref_slice %arg2[%add3A, %select_n3A_30, %dma_wait3A_305] : memref<4x4x2560xf32, #tpu.memory_space<hbm>> -> memref<1x1x2560xf32, #tpu.memory_space<hbm>>
        %dma_wait3A_307 = tpu.memref_squeeze %dma_wait3A_306 : memref<1x1x2560xf32, #tpu.memory_space<hbm>> -> memref<2560xf32, #tpu.memory_space<hbm>>
        tpu.wait_dma2 semaphore(%run_scoped3A : memref<!tpu.dma_semaphore, #tpu.memory_space<semaphore_mem>>) src(%dma_wait3A_307 : memref<2560xf32, #tpu.memory_space<hbm>>) dst(%arg5 : memref<2560xf32, #tpu.memory_space<vmem>>)
        tpu.yield
      }) : () -> ()
      "tpu.region"() ({
        %run_scoped3A = tpu.sem_alloc : memref<!tpu.dma_semaphore, #tpu.memory_space<semaphore_mem>>
        %dma_start3A = arith.constant 0 : i32
        %dma_start3A_298 = tpu.memref_slice %arg3[%add3A, %dma_start3A] : memref<4x20480xf32, #tpu.memory_space<hbm>> -> memref<1x20480xf32, #tpu.memory_space<hbm>>
        %dma_start3A_299 = tpu.memref_squeeze %dma_start3A_298 : memref<1x20480xf32, #tpu.memory_space<hbm>> -> memref<20480xf32, #tpu.memory_space<hbm>>
        %dma_start3A_300 = arith.constant 0 : i32
        %dma_start3A_301 = tpu.memref_slice %arg3[%add3A, %dma_start3A_300] : memref<4x20480xf32, #tpu.memory_space<hbm>> -> memref<1x20480xf32, #tpu.memory_space<hbm>>
        %dma_start3A_302 = tpu.memref_squeeze %dma_start3A_301 : memref<1x20480xf32, #tpu.memory_space<hbm>> -> memref<20480xf32, #tpu.memory_space<hbm>>
        tpu.enqueue_dma source(%dma_start3A_302 : memref<20480xf32, #tpu.memory_space<hbm>>) target(%arg6 : memref<20480xf32, #tpu.memory_space<vmem>>) target_semaphore(%run_scoped3A : memref<!tpu.dma_semaphore, #tpu.memory_space<semaphore_mem>>)
        %dma_wait3A = arith.constant 0 : i32
        %dma_wait3A_303 = tpu.memref_slice %arg3[%add3A, %dma_wait3A] : memref<4x20480xf32, #tpu.memory_space<hbm>> -> memref<1x20480xf32, #tpu.memory_space<hbm>>
        %dma_wait3A_304 = tpu.memref_squeeze %dma_wait3A_303 : memref<1x20480xf32, #tpu.memory_space<hbm>> -> memref<20480xf32, #tpu.memory_space<hbm>>
        %dma_wait3A_305 = arith.constant 0 : i32
        %dma_wait3A_306 = tpu.memref_slice %arg3[%add3A, %dma_wait3A_305] : memref<4x20480xf32, #tpu.memory_space<hbm>> -> memref<1x20480xf32, #tpu.memory_space<hbm>>
        %dma_wait3A_307 = tpu.memref_squeeze %dma_wait3A_306 : memref<1x20480xf32, #tpu.memory_space<hbm>> -> memref<20480xf32, #tpu.memory_space<hbm>>
        tpu.wait_dma2 semaphore(%run_scoped3A : memref<!tpu.dma_semaphore, #tpu.memory_space<semaphore_mem>>) src(%dma_wait3A_307 : memref<20480xf32, #tpu.memory_space<hbm>>) dst(%arg6 : memref<20480xf32, #tpu.memory_space<vmem>>)
        tpu.yield
      }) : () -> ()
      %scan3A = arith.constant 0 : i32
      %scan3A_35 = arith.constant 160 : i32
      %scan3A_36 = arith.addi %scan3A, %scan3A_35 : i32
      %scan3A_37 = arith.constant 1 : i32
      %scan3A_38:8 = scf.for %scan3A_298 = %scan3A to %scan3A_36 step %scan3A_37 iter_args(%scan3A_299 = %broadcast_in_dim3A_31, %scan3A_300 = %broadcast_in_dim3A_31, %scan3A_301 = %broadcast_in_dim3A_31, %scan3A_302 = %broadcast_in_dim3A_31, %scan3A_303 = %broadcast_in_dim3A_31, %scan3A_304 = %broadcast_in_dim3A_31, %scan3A_305 = %broadcast_in_dim3A_31, %scan3A_306 = %broadcast_in_dim3A_31) -> (vector<16xf32>, vector<16xf32>, vector<16xf32>, vector<16xf32>, vector<16xf32>, vector<16xf32>, vector<16xf32>, vector<16xf32>)  : i32 {
        %mul3A_307 = arith.constant 16 : i32
        %mul3A_308 = arith.muli %scan3A_298, %mul3A_307 : i32
        %get3A = arith.index_cast %mul3A_308 : i32 to index
        %get3A_309 = tpu.vector_load %arg5[%get3A] {strides = array<i32>} : memref<2560xf32, #tpu.memory_space<vmem>>, vector<16xf32>,
        %get3A_310 = vector.shape_cast %get3A_309 : vector<16xf32> to vector<16xf32>
        %add3A_311 = arith.constant 0 : i32
        %add3A_312 = arith.addi %add3A_311, %scan3A_298 : i32
        %mul3A_313 = arith.constant 16 : i32
        %mul3A_314 = arith.muli %add3A_312, %mul3A_313 : i32
        %get3A_315 = arith.index_cast %mul3A_314 : i32 to index
        %get3A_316 = tpu.vector_load %arg6[%get3A_315] {strides = array<i32>} : memref<20480xf32, #tpu.memory_space<vmem>>, vector<16xf32>,
        %get3A_317 = vector.shape_cast %get3A_316 : vector<16xf32> to vector<16xf32>
        %mul3A_318 = arith.mulf %get3A_317, %get3A_310 : vector<16xf32>
        %add3A_319 = arith.addf %scan3A_299, %mul3A_318 : vector<16xf32>
        %add3A_320 = arith.constant 160 : i32
        %add3A_321 = arith.addi %add3A_320, %scan3A_298 : i32
        %mul3A_322 = arith.constant 16 : i32
        %mul3A_323 = arith.muli %add3A_321, %mul3A_322 : i32
        %get3A_324 = arith.index_cast %mul3A_323 : i32 to index
        %get3A_325 = tpu.vector_load %arg6[%get3A_324] {strides = array<i32>} : memref<20480xf32, #tpu.memory_space<vmem>>, vector<16xf32>,
        %get3A_326 = vector.shape_cast %get3A_325 : vector<16xf32> to vector<16xf32>
        %mul3A_327 = arith.mulf %get3A_326, %get3A_310 : vector<16xf32>
        %add3A_328 = arith.addf %scan3A_300, %mul3A_327 : vector<16xf32>
        %add3A_329 = arith.constant 320 : i32
        %add3A_330 = arith.addi %add3A_329, %scan3A_298 : i32
        %mul3A_331 = arith.constant 16 : i32
        %mul3A_332 = arith.muli %add3A_330, %mul3A_331 : i32
        %get3A_333 = arith.index_cast %mul3A_332 : i32 to index
        %get3A_334 = tpu.vector_load %arg6[%get3A_333] {strides = array<i32>} : memref<20480xf32, #tpu.memory_space<vmem>>, vector<16xf32>,
        %get3A_335 = vector.shape_cast %get3A_334 : vector<16xf32> to vector<16xf32>
        %mul3A_336 = arith.mulf %get3A_335, %get3A_310 : vector<16xf32>
        %add3A_337 = arith.addf %scan3A_301, %mul3A_336 : vector<16xf32>
        %add3A_338 = arith.constant 480 : i32
        %add3A_339 = arith.addi %add3A_338, %scan3A_298 : i32
        %mul3A_340 = arith.constant 16 : i32
        %mul3A_341 = arith.muli %add3A_339, %mul3A_340 : i32
        %get3A_342 = arith.index_cast %mul3A_341 : i32 to index
        %get3A_343 = tpu.vector_load %arg6[%get3A_342] {strides = array<i32>} : memref<20480xf32, #tpu.memory_space<vmem>>, vector<16xf32>,
        %get3A_344 = vector.shape_cast %get3A_343 : vector<16xf32> to vector<16xf32>
        %mul3A_345 = arith.mulf %get3A_344, %get3A_310 : vector<16xf32>
        %add3A_346 = arith.addf %scan3A_302, %mul3A_345 : vector<16xf32>
        %add3A_347 = arith.constant 640 : i32
        %add3A_348 = arith.addi %add3A_347, %scan3A_298 : i32
        %mul3A_349 = arith.constant 16 : i32
        %mul3A_350 = arith.muli %add3A_348, %mul3A_349 : i32
        %get3A_351 = arith.index_cast %mul3A_350 : i32 to index
        %get3A_352 = tpu.vector_load %arg6[%get3A_351] {strides = array<i32>} : memref<20480xf32, #tpu.memory_space<vmem>>, vector<16xf32>,
        %get3A_353 = vector.shape_cast %get3A_352 : vector<16xf32> to vector<16xf32>
        %mul3A_354 = arith.mulf %get3A_353, %get3A_310 : vector<16xf32>
        %add3A_355 = arith.addf %scan3A_303, %mul3A_354 : vector<16xf32>
        %add3A_356 = arith.constant 800 : i32
        %add3A_357 = arith.addi %add3A_356, %scan3A_298 : i32
        %mul3A_358 = arith.constant 16 : i32
        %mul3A_359 = arith.muli %add3A_357, %mul3A_358 : i32
        %get3A_360 = arith.index_cast %mul3A_359 : i32 to index
        %get3A_361 = tpu.vector_load %arg6[%get3A_360] {strides = array<i32>} : memref<20480xf32, #tpu.memory_space<vmem>>, vector<16xf32>,
        %get3A_362 = vector.shape_cast %get3A_361 : vector<16xf32> to vector<16xf32>
        %mul3A_363 = arith.mulf %get3A_362, %get3A_310 : vector<16xf32>
        %add3A_364 = arith.addf %scan3A_304, %mul3A_363 : vector<16xf32>
        %add3A_365 = arith.constant 960 : i32
        %add3A_366 = arith.addi %add3A_365, %scan3A_298 : i32
        %mul3A_367 = arith.constant 16 : i32
        %mul3A_368 = arith.muli %add3A_366, %mul3A_367 : i32
        %get3A_369 = arith.index_cast %mul3A_368 : i32 to index
        %get3A_370 = tpu.vector_load %arg6[%get3A_369] {strides = array<i32>} : memref<20480xf32, #tpu.memory_space<vmem>>, vector<16xf32>,
        %get3A_371 = vector.shape_cast %get3A_370 : vector<16xf32> to vector<16xf32>
        %mul3A_372 = arith.mulf %get3A_371, %get3A_310 : vector<16xf32>
        %add3A_373 = arith.addf %scan3A_305, %mul3A_372 : vector<16xf32>
        %add3A_374 = arith.constant 1120 : i32
        %add3A_375 = arith.addi %add3A_374, %scan3A_298 : i32
        %mul3A_376 = arith.constant 16 : i32
        %mul3A_377 = arith.muli %add3A_375, %mul3A_376 : i32
        %get3A_378 = arith.index_cast %mul3A_377 : i32 to index
        %get3A_379 = tpu.vector_load %arg6[%get3A_378] {strides = array<i32>} : memref<20480xf32, #tpu.memory_space<vmem>>, vector<16xf32>,
        %get3A_380 = vector.shape_cast %get3A_379 : vector<16xf32> to vector<16xf32>
        %mul3A_381 = arith.mulf %get3A_380, %get3A_310 : vector<16xf32>
        %add3A_382 = arith.addf %scan3A_306, %mul3A_381 : vector<16xf32>
        scf.yield %add3A_319, %add3A_328, %add3A_337, %add3A_346, %add3A_355, %add3A_364, %add3A_373, %add3A_382 : vector<16xf32>, vector<16xf32>, vector<16xf32>, vector<16xf32>, vector<16xf32>, vector<16xf32>, vector<16xf32>, vector<16xf32>
      }
      %scan3A_39 = arith.constant 160 : i32
      %max3A = arith.maximumf %scan3A_38#0, %scan3A_38#1 : vector<16xf32>
      %max3A_40 = arith.maximumf %max3A, %scan3A_38#2 : vector<16xf32>
      %max3A_41 = arith.maximumf %max3A_40, %scan3A_38#3 : vector<16xf32>
      %max3A_42 = arith.maximumf %max3A_41, %scan3A_38#4 : vector<16xf32>
      %max3A_43 = arith.maximumf %max3A_42, %scan3A_38#5 : vector<16xf32>
      %max3A_44 = arith.maximumf %max3A_43, %scan3A_38#6 : vector<16xf32>
      %max3A_45 = arith.maximumf %max3A_44, %scan3A_38#7 : vector<16xf32>
      %sub3A_46 = arith.subf %scan3A_38#0, %max3A_45 : vector<16xf32>
      %exp3A = math.exp %sub3A_46 : vector<16xf32>
      %sub3A_47 = arith.subf %scan3A_38#1, %max3A_45 : vector<16xf32>
      %exp3A_48 = math.exp %sub3A_47 : vector<16xf32>
      %sub3A_49 = arith.subf %scan3A_38#2, %max3A_45 : vector<16xf32>
      %exp3A_50 = math.exp %sub3A_49 : vector<16xf32>
      %sub3A_51 = arith.subf %scan3A_38#3, %max3A_45 : vector<16xf32>
      %exp3A_52 = math.exp %sub3A_51 : vector<16xf32>
      %sub3A_53 = arith.subf %scan3A_38#4, %max3A_45 : vector<16xf32>
      %exp3A_54 = math.exp %sub3A_53 : vector<16xf32>
      %sub3A_55 = arith.subf %scan3A_38#5, %max3A_45 : vector<16xf32>
      %exp3A_56 = math.exp %sub3A_55 : vector<16xf32>
      %sub3A_57 = arith.subf %scan3A_38#6, %max3A_45 : vector<16xf32>
      %exp3A_58 = math.exp %sub3A_57 : vector<16xf32>
      %sub3A_59 = arith.subf %scan3A_38#7, %max3A_45 : vector<16xf32>
      %exp3A_60 = math.exp %sub3A_59 : vector<16xf32>
      %add3A_61 = arith.addf %exp3A, %exp3A_48 : vector<16xf32>
      %add3A_62 = arith.addf %add3A_61, %exp3A_50 : vector<16xf32>
      %add3A_63 = arith.addf %add3A_62, %exp3A_52 : vector<16xf32>
      %add3A_64 = arith.addf %add3A_63, %exp3A_54 : vector<16xf32>
      %add3A_65 = arith.addf %add3A_64, %exp3A_56 : vector<16xf32>
      %add3A_66 = arith.addf %add3A_65, %exp3A_58 : vector<16xf32>
      %add3A_67 = arith.addf %add3A_66, %exp3A_60 : vector<16xf32>
      %div3A_68 = arith.divf %exp3A, %add3A_67 : vector<16xf32>
      %div3A_69 = arith.divf %exp3A_48, %add3A_67 : vector<16xf32>
      %div3A_70 = arith.divf %exp3A_50, %add3A_67 : vector<16xf32>
      %div3A_71 = arith.divf %exp3A_52, %add3A_67 : vector<16xf32>
      %div3A_72 = arith.divf %exp3A_54, %add3A_67 : vector<16xf32>
      %div3A_73 = arith.divf %exp3A_56, %add3A_67 : vector<16xf32>
      %div3A_74 = arith.divf %exp3A_58, %add3A_67 : vector<16xf32>
      %div3A_75 = arith.divf %exp3A_60, %add3A_67 : vector<16xf32>
      %broadcast_in_dim3A_76 = arith.constant 0 : i32
      %broadcast_in_dim3A_77 = vector.broadcast %broadcast_in_dim3A_76 : i32 to vector<16xi32>
      %broadcast_in_dim3A_78 = arith.constant -1.000000e+00 : f32
      %broadcast_in_dim3A_79 = vector.broadcast %broadcast_in_dim3A_78 : f32 to vector<16xf32>
      %broadcast_in_dim3A_80 = arith.constant 0 : i32
      %broadcast_in_dim3A_81 = vector.broadcast %broadcast_in_dim3A_80 : i32 to vector<16xi32>
      %gt3A = arith.cmpf ogt, %div3A_69, %div3A_68 : vector<16xf32>
      %gt3A_82 = arith.cmpf ogt, %div3A_69, %broadcast_in_dim3A_79 : vector<16xf32>
      %select_n3A_83 = arith.select %gt3A_82, %div3A_69, %broadcast_in_dim3A_79 : vector<16xi1>, vector<16xf32>
      %select_n3A_84 = arith.select %gt3A, %div3A_68, %select_n3A_83 : vector<16xi1>, vector<16xf32>
      %jit3A_85 = arith.constant 1 : i32
      %broadcast_in_dim3A_86 = vector.broadcast %jit3A_85 : i32 to vector<16xi32>
      %select_n3A_87 = arith.select %gt3A_82, %broadcast_in_dim3A_86, %broadcast_in_dim3A_81 : vector<16xi1>, vector<16xi32>
      %select_n3A_88 = arith.select %gt3A, %broadcast_in_dim3A_77, %select_n3A_87 : vector<16xi1>, vector<16xi32>
      %select_n3A_89 = arith.select %gt3A, %div3A_69, %div3A_68 : vector<16xi1>, vector<16xf32>
      %jit3A_90 = arith.constant 1 : i32
      %broadcast_in_dim3A_91 = vector.broadcast %jit3A_90 : i32 to vector<16xi32>
      %select_n3A_92 = arith.select %gt3A, %broadcast_in_dim3A_91, %broadcast_in_dim3A_77 : vector<16xi1>, vector<16xi32>
      %gt3A_93 = arith.cmpf ogt, %div3A_70, %select_n3A_89 : vector<16xf32>
      %gt3A_94 = arith.cmpf ogt, %div3A_70, %select_n3A_84 : vector<16xf32>
      %select_n3A_95 = arith.select %gt3A_94, %div3A_70, %select_n3A_84 : vector<16xi1>, vector<16xf32>
      %select_n3A_96 = arith.select %gt3A_93, %select_n3A_89, %select_n3A_95 : vector<16xi1>, vector<16xf32>
      %jit3A_97 = arith.constant 2 : i32
      %broadcast_in_dim3A_98 = vector.broadcast %jit3A_97 : i32 to vector<16xi32>
      %select_n3A_99 = arith.select %gt3A_94, %broadcast_in_dim3A_98, %select_n3A_88 : vector<16xi1>, vector<16xi32>
      %select_n3A_100 = arith.select %gt3A_93, %select_n3A_92, %select_n3A_99 : vector<16xi1>, vector<16xi32>
      %select_n3A_101 = arith.select %gt3A_93, %div3A_70, %select_n3A_89 : vector<16xi1>, vector<16xf32>
      %jit3A_102 = arith.constant 2 : i32
      %broadcast_in_dim3A_103 = vector.broadcast %jit3A_102 : i32 to vector<16xi32>
      %select_n3A_104 = arith.select %gt3A_93, %broadcast_in_dim3A_103, %select_n3A_92 : vector<16xi1>, vector<16xi32>
      %gt3A_105 = arith.cmpf ogt, %div3A_71, %select_n3A_101 : vector<16xf32>
      %gt3A_106 = arith.cmpf ogt, %div3A_71, %select_n3A_96 : vector<16xf32>
      %select_n3A_107 = arith.select %gt3A_106, %div3A_71, %select_n3A_96 : vector<16xi1>, vector<16xf32>
      %select_n3A_108 = arith.select %gt3A_105, %select_n3A_101, %select_n3A_107 : vector<16xi1>, vector<16xf32>
      %jit3A_109 = arith.constant 3 : i32
      %broadcast_in_dim3A_110 = vector.broadcast %jit3A_109 : i32 to vector<16xi32>
      %select_n3A_111 = arith.select %gt3A_106, %broadcast_in_dim3A_110, %select_n3A_100 : vector<16xi1>, vector<16xi32>
      %select_n3A_112 = arith.select %gt3A_105, %select_n3A_104, %select_n3A_111 : vector<16xi1>, vector<16xi32>
      %select_n3A_113 = arith.select %gt3A_105, %div3A_71, %select_n3A_101 : vector<16xi1>, vector<16xf32>
      %jit3A_114 = arith.constant 3 : i32
      %broadcast_in_dim3A_115 = vector.broadcast %jit3A_114 : i32 to vector<16xi32>
      %select_n3A_116 = arith.select %gt3A_105, %broadcast_in_dim3A_115, %select_n3A_104 : vector<16xi1>, vector<16xi32>
      %gt3A_117 = arith.cmpf ogt, %div3A_72, %select_n3A_113 : vector<16xf32>
      %gt3A_118 = arith.cmpf ogt, %div3A_72, %select_n3A_108 : vector<16xf32>
      %select_n3A_119 = arith.select %gt3A_118, %div3A_72, %select_n3A_108 : vector<16xi1>, vector<16xf32>
      %select_n3A_120 = arith.select %gt3A_117, %select_n3A_113, %select_n3A_119 : vector<16xi1>, vector<16xf32>
      %jit3A_121 = arith.constant 4 : i32
      %broadcast_in_dim3A_122 = vector.broadcast %jit3A_121 : i32 to vector<16xi32>
      %select_n3A_123 = arith.select %gt3A_118, %broadcast_in_dim3A_122, %select_n3A_112 : vector<16xi1>, vector<16xi32>
      %select_n3A_124 = arith.select %gt3A_117, %select_n3A_116, %select_n3A_123 : vector<16xi1>, vector<16xi32>
      %select_n3A_125 = arith.select %gt3A_117, %div3A_72, %select_n3A_113 : vector<16xi1>, vector<16xf32>
      %jit3A_126 = arith.constant 4 : i32
      %broadcast_in_dim3A_127 = vector.broadcast %jit3A_126 : i32 to vector<16xi32>
      %select_n3A_128 = arith.select %gt3A_117, %broadcast_in_dim3A_127, %select_n3A_116 : vector<16xi1>, vector<16xi32>
      %gt3A_129 = arith.cmpf ogt, %div3A_73, %select_n3A_125 : vector<16xf32>
      %gt3A_130 = arith.cmpf ogt, %div3A_73, %select_n3A_120 : vector<16xf32>
      %select_n3A_131 = arith.select %gt3A_130, %div3A_73, %select_n3A_120 : vector<16xi1>, vector<16xf32>
      %select_n3A_132 = arith.select %gt3A_129, %select_n3A_125, %select_n3A_131 : vector<16xi1>, vector<16xf32>
      %jit3A_133 = arith.constant 5 : i32
      %broadcast_in_dim3A_134 = vector.broadcast %jit3A_133 : i32 to vector<16xi32>
      %select_n3A_135 = arith.select %gt3A_130, %broadcast_in_dim3A_134, %select_n3A_124 : vector<16xi1>, vector<16xi32>
      %select_n3A_136 = arith.select %gt3A_129, %select_n3A_128, %select_n3A_135 : vector<16xi1>, vector<16xi32>
      %select_n3A_137 = arith.select %gt3A_129, %div3A_73, %select_n3A_125 : vector<16xi1>, vector<16xf32>
      %jit3A_138 = arith.constant 5 : i32
      %broadcast_in_dim3A_139 = vector.broadcast %jit3A_138 : i32 to vector<16xi32>
      %select_n3A_140 = arith.select %gt3A_129, %broadcast_in_dim3A_139, %select_n3A_128 : vector<16xi1>, vector<16xi32>
      %gt3A_141 = arith.cmpf ogt, %div3A_74, %select_n3A_137 : vector<16xf32>
      %gt3A_142 = arith.cmpf ogt, %div3A_74, %select_n3A_132 : vector<16xf32>
      %select_n3A_143 = arith.select %gt3A_142, %div3A_74, %select_n3A_132 : vector<16xi1>, vector<16xf32>
      %select_n3A_144 = arith.select %gt3A_141, %select_n3A_137, %select_n3A_143 : vector<16xi1>, vector<16xf32>
      %jit3A_145 = arith.constant 6 : i32
      %broadcast_in_dim3A_146 = vector.broadcast %jit3A_145 : i32 to vector<16xi32>
      %select_n3A_147 = arith.select %gt3A_142, %broadcast_in_dim3A_146, %select_n3A_136 : vector<16xi1>, vector<16xi32>
      %select_n3A_148 = arith.select %gt3A_141, %select_n3A_140, %select_n3A_147 : vector<16xi1>, vector<16xi32>
      %select_n3A_149 = arith.select %gt3A_141, %div3A_74, %select_n3A_137 : vector<16xi1>, vector<16xf32>
      %jit3A_150 = arith.constant 6 : i32
      %broadcast_in_dim3A_151 = vector.broadcast %jit3A_150 : i32 to vector<16xi32>
      %select_n3A_152 = arith.select %gt3A_141, %broadcast_in_dim3A_151, %select_n3A_140 : vector<16xi1>, vector<16xi32>
      %gt3A_153 = arith.cmpf ogt, %div3A_75, %select_n3A_149 : vector<16xf32>
      %gt3A_154 = arith.cmpf ogt, %div3A_75, %select_n3A_144 : vector<16xf32>
      %select_n3A_155 = arith.select %gt3A_154, %div3A_75, %select_n3A_144 : vector<16xi1>, vector<16xf32>
      %select_n3A_156 = arith.select %gt3A_153, %select_n3A_149, %select_n3A_155 : vector<16xi1>, vector<16xf32>
      %jit3A_157 = arith.constant 7 : i32
      %broadcast_in_dim3A_158 = vector.broadcast %jit3A_157 : i32 to vector<16xi32>
      %select_n3A_159 = arith.select %gt3A_154, %broadcast_in_dim3A_158, %select_n3A_148 : vector<16xi1>, vector<16xi32>
      %select_n3A_160 = arith.select %gt3A_153, %select_n3A_152, %select_n3A_159 : vector<16xi1>, vector<16xi32>
      %select_n3A_161 = arith.select %gt3A_153, %div3A_75, %select_n3A_149 : vector<16xi1>, vector<16xf32>
      %jit3A_162 = arith.constant 7 : i32
      %broadcast_in_dim3A_163 = vector.broadcast %jit3A_162 : i32 to vector<16xi32>
      %select_n3A_164 = arith.select %gt3A_153, %broadcast_in_dim3A_163, %select_n3A_152 : vector<16xi1>, vector<16xi32>
      %add3A_165 = arith.addf %select_n3A_161, %select_n3A_156 : vector<16xf32>
      %add3A_166 = arith.constant 9.99999997E-7 : f32
      %add3A_167 = vector.broadcast %add3A_166 : f32 to vector<16xf32>
      %add3A_168 = arith.addf %add3A_165, %add3A_167 : vector<16xf32>
      %div3A_169 = arith.divf %select_n3A_161, %add3A_168 : vector<16xf32>
      %div3A_170 = arith.divf %select_n3A_156, %add3A_168 : vector<16xf32>
      %eq3A_171 = arith.constant 0 : i32
      %eq3A_172 = vector.broadcast %eq3A_171 : i32 to vector<16xi32>
      %eq3A_173 = arith.cmpi eq, %select_n3A_164, %eq3A_172 : vector<16xi32>
      %eq3A_174 = arith.constant 0 : i32
      %eq3A_175 = vector.broadcast %eq3A_174 : i32 to vector<16xi32>
      %eq3A_176 = arith.cmpi eq, %select_n3A_160, %eq3A_175 : vector<16xi32>
      %jit3A_177 = arith.constant 0.000000e+00 : f32
      %broadcast_in_dim3A_178 = vector.broadcast %jit3A_177 : f32 to vector<16xf32>
      %select_n3A_179 = arith.select %eq3A_176, %div3A_170, %broadcast_in_dim3A_178 : vector<16xi1>, vector<16xf32>
      %select_n3A_180 = arith.select %eq3A_173, %div3A_169, %select_n3A_179 : vector<16xi1>, vector<16xf32>
      %swap3A = arith.constant 0 : i32
      %swap3A_181 = arith.index_cast %swap3A : i32 to index
      %swap3A_182 = arith.constant 0 : index
      %swap3A_183 = tpu.vector_load %arg7[%swap3A_181, %swap3A_182] {strides = array<i32>} : memref<8x16xf32, #tpu.memory_space<vmem>>, vector<1x16xf32>,
      %swap3A_184 = vector.shape_cast %swap3A_183 : vector<1x16xf32> to vector<16xf32>
      %swap3A_185 = vector.shape_cast %select_n3A_180 : vector<16xf32> to vector<1x16xf32>
      tpu.vector_store %arg7[%swap3A_181, %swap3A_182], %swap3A_185 {strides = array<i32>} : memref<8x16xf32, #tpu.memory_space<vmem>>, vector<1x16xf32>,
      %eq3A_186 = arith.constant 1 : i32
      %eq3A_187 = vector.broadcast %eq3A_186 : i32 to vector<16xi32>
      %eq3A_188 = arith.cmpi eq, %select_n3A_164, %eq3A_187 : vector<16xi32>
      %eq3A_189 = arith.constant 1 : i32
      %eq3A_190 = vector.broadcast %eq3A_189 : i32 to vector<16xi32>
      %eq3A_191 = arith.cmpi eq, %select_n3A_160, %eq3A_190 : vector<16xi32>
      %jit3A_192 = arith.constant 0.000000e+00 : f32
      %broadcast_in_dim3A_193 = vector.broadcast %jit3A_192 : f32 to vector<16xf32>
      %select_n3A_194 = arith.select %eq3A_191, %div3A_170, %broadcast_in_dim3A_193 : vector<16xi1>, vector<16xf32>
      %select_n3A_195 = arith.select %eq3A_188, %div3A_169, %select_n3A_194 : vector<16xi1>, vector<16xf32>
      %swap3A_196 = arith.constant 1 : i32
      %swap3A_197 = arith.index_cast %swap3A_196 : i32 to index
      %swap3A_198 = arith.constant 0 : index
      %swap3A_199 = tpu.vector_load %arg7[%swap3A_197, %swap3A_198] {strides = array<i32>} : memref<8x16xf32, #tpu.memory_space<vmem>>, vector<1x16xf32>,
      %swap3A_200 = vector.shape_cast %swap3A_199 : vector<1x16xf32> to vector<16xf32>
      %swap3A_201 = vector.shape_cast %select_n3A_195 : vector<16xf32> to vector<1x16xf32>
      tpu.vector_store %arg7[%swap3A_197, %swap3A_198], %swap3A_201 {strides = array<i32>} : memref<8x16xf32, #tpu.memory_space<vmem>>, vector<1x16xf32>,
      %eq3A_202 = arith.constant 2 : i32
      %eq3A_203 = vector.broadcast %eq3A_202 : i32 to vector<16xi32>
      %eq3A_204 = arith.cmpi eq, %select_n3A_164, %eq3A_203 : vector<16xi32>
      %eq3A_205 = arith.constant 2 : i32
      %eq3A_206 = vector.broadcast %eq3A_205 : i32 to vector<16xi32>
      %eq3A_207 = arith.cmpi eq, %select_n3A_160, %eq3A_206 : vector<16xi32>
      %jit3A_208 = arith.constant 0.000000e+00 : f32
      %broadcast_in_dim3A_209 = vector.broadcast %jit3A_208 : f32 to vector<16xf32>
      %select_n3A_210 = arith.select %eq3A_207, %div3A_170, %broadcast_in_dim3A_209 : vector<16xi1>, vector<16xf32>
      %select_n3A_211 = arith.select %eq3A_204, %div3A_169, %select_n3A_210 : vector<16xi1>, vector<16xf32>
      %swap3A_212 = arith.constant 2 : i32
      %swap3A_213 = arith.index_cast %swap3A_212 : i32 to index
      %swap3A_214 = arith.constant 0 : index
      %swap3A_215 = tpu.vector_load %arg7[%swap3A_213, %swap3A_214] {strides = array<i32>} : memref<8x16xf32, #tpu.memory_space<vmem>>, vector<1x16xf32>,
      %swap3A_216 = vector.shape_cast %swap3A_215 : vector<1x16xf32> to vector<16xf32>
      %swap3A_217 = vector.shape_cast %select_n3A_211 : vector<16xf32> to vector<1x16xf32>
      tpu.vector_store %arg7[%swap3A_213, %swap3A_214], %swap3A_217 {strides = array<i32>} : memref<8x16xf32, #tpu.memory_space<vmem>>, vector<1x16xf32>,
      %eq3A_218 = arith.constant 3 : i32
      %eq3A_219 = vector.broadcast %eq3A_218 : i32 to vector<16xi32>
      %eq3A_220 = arith.cmpi eq, %select_n3A_164, %eq3A_219 : vector<16xi32>
      %eq3A_221 = arith.constant 3 : i32
      %eq3A_222 = vector.broadcast %eq3A_221 : i32 to vector<16xi32>
      %eq3A_223 = arith.cmpi eq, %select_n3A_160, %eq3A_222 : vector<16xi32>
      %jit3A_224 = arith.constant 0.000000e+00 : f32
      %broadcast_in_dim3A_225 = vector.broadcast %jit3A_224 : f32 to vector<16xf32>
      %select_n3A_226 = arith.select %eq3A_223, %div3A_170, %broadcast_in_dim3A_225 : vector<16xi1>, vector<16xf32>
      %select_n3A_227 = arith.select %eq3A_220, %div3A_169, %select_n3A_226 : vector<16xi1>, vector<16xf32>
      %swap3A_228 = arith.constant 3 : i32
      %swap3A_229 = arith.index_cast %swap3A_228 : i32 to index
      %swap3A_230 = arith.constant 0 : index
      %swap3A_231 = tpu.vector_load %arg7[%swap3A_229, %swap3A_230] {strides = array<i32>} : memref<8x16xf32, #tpu.memory_space<vmem>>, vector<1x16xf32>,
      %swap3A_232 = vector.shape_cast %swap3A_231 : vector<1x16xf32> to vector<16xf32>
      %swap3A_233 = vector.shape_cast %select_n3A_227 : vector<16xf32> to vector<1x16xf32>
      tpu.vector_store %arg7[%swap3A_229, %swap3A_230], %swap3A_233 {strides = array<i32>} : memref<8x16xf32, #tpu.memory_space<vmem>>, vector<1x16xf32>,
      %eq3A_234 = arith.constant 4 : i32
      %eq3A_235 = vector.broadcast %eq3A_234 : i32 to vector<16xi32>
      %eq3A_236 = arith.cmpi eq, %select_n3A_164, %eq3A_235 : vector<16xi32>
      %eq3A_237 = arith.constant 4 : i32
      %eq3A_238 = vector.broadcast %eq3A_237 : i32 to vector<16xi32>
      %eq3A_239 = arith.cmpi eq, %select_n3A_160, %eq3A_238 : vector<16xi32>
      %jit3A_240 = arith.constant 0.000000e+00 : f32
      %broadcast_in_dim3A_241 = vector.broadcast %jit3A_240 : f32 to vector<16xf32>
      %select_n3A_242 = arith.select %eq3A_239, %div3A_170, %broadcast_in_dim3A_241 : vector<16xi1>, vector<16xf32>
      %select_n3A_243 = arith.select %eq3A_236, %div3A_169, %select_n3A_242 : vector<16xi1>, vector<16xf32>
      %swap3A_244 = arith.constant 4 : i32
      %swap3A_245 = arith.index_cast %swap3A_244 : i32 to index
      %swap3A_246 = arith.constant 0 : index
      %swap3A_247 = tpu.vector_load %arg7[%swap3A_245, %swap3A_246] {strides = array<i32>} : memref<8x16xf32, #tpu.memory_space<vmem>>, vector<1x16xf32>,
      %swap3A_248 = vector.shape_cast %swap3A_247 : vector<1x16xf32> to vector<16xf32>
      %swap3A_249 = vector.shape_cast %select_n3A_243 : vector<16xf32> to vector<1x16xf32>
      tpu.vector_store %arg7[%swap3A_245, %swap3A_246], %swap3A_249 {strides = array<i32>} : memref<8x16xf32, #tpu.memory_space<vmem>>, vector<1x16xf32>,
      %eq3A_250 = arith.constant 5 : i32
      %eq3A_251 = vector.broadcast %eq3A_250 : i32 to vector<16xi32>
      %eq3A_252 = arith.cmpi eq, %select_n3A_164, %eq3A_251 : vector<16xi32>
      %eq3A_253 = arith.constant 5 : i32
      %eq3A_254 = vector.broadcast %eq3A_253 : i32 to vector<16xi32>
      %eq3A_255 = arith.cmpi eq, %select_n3A_160, %eq3A_254 : vector<16xi32>
      %jit3A_256 = arith.constant 0.000000e+00 : f32
      %broadcast_in_dim3A_257 = vector.broadcast %jit3A_256 : f32 to vector<16xf32>
      %select_n3A_258 = arith.select %eq3A_255, %div3A_170, %broadcast_in_dim3A_257 : vector<16xi1>, vector<16xf32>
      %select_n3A_259 = arith.select %eq3A_252, %div3A_169, %select_n3A_258 : vector<16xi1>, vector<16xf32>
      %swap3A_260 = arith.constant 5 : i32
      %swap3A_261 = arith.index_cast %swap3A_260 : i32 to index
      %swap3A_262 = arith.constant 0 : index
      %swap3A_263 = tpu.vector_load %arg7[%swap3A_261, %swap3A_262] {strides = array<i32>} : memref<8x16xf32, #tpu.memory_space<vmem>>, vector<1x16xf32>,
      %swap3A_264 = vector.shape_cast %swap3A_263 : vector<1x16xf32> to vector<16xf32>
      %swap3A_265 = vector.shape_cast %select_n3A_259 : vector<16xf32> to vector<1x16xf32>
      tpu.vector_store %arg7[%swap3A_261, %swap3A_262], %swap3A_265 {strides = array<i32>} : memref<8x16xf32, #tpu.memory_space<vmem>>, vector<1x16xf32>,
      %eq3A_266 = arith.constant 6 : i32
      %eq3A_267 = vector.broadcast %eq3A_266 : i32 to vector<16xi32>
      %eq3A_268 = arith.cmpi eq, %select_n3A_164, %eq3A_267 : vector<16xi32>
      %eq3A_269 = arith.constant 6 : i32
      %eq3A_270 = vector.broadcast %eq3A_269 : i32 to vector<16xi32>
      %eq3A_271 = arith.cmpi eq, %select_n3A_160, %eq3A_270 : vector<16xi32>
      %jit3A_272 = arith.constant 0.000000e+00 : f32
      %broadcast_in_dim3A_273 = vector.broadcast %jit3A_272 : f32 to vector<16xf32>
      %select_n3A_274 = arith.select %eq3A_271, %div3A_170, %broadcast_in_dim3A_273 : vector<16xi1>, vector<16xf32>
      %select_n3A_275 = arith.select %eq3A_268, %div3A_169, %select_n3A_274 : vector<16xi1>, vector<16xf32>
      %swap3A_276 = arith.constant 6 : i32
      %swap3A_277 = arith.index_cast %swap3A_276 : i32 to index
      %swap3A_278 = arith.constant 0 : index
      %swap3A_279 = tpu.vector_load %arg7[%swap3A_277, %swap3A_278] {strides = array<i32>} : memref<8x16xf32, #tpu.memory_space<vmem>>, vector<1x16xf32>,
      %swap3A_280 = vector.shape_cast %swap3A_279 : vector<1x16xf32> to vector<16xf32>
      %swap3A_281 = vector.shape_cast %select_n3A_275 : vector<16xf32> to vector<1x16xf32>
      tpu.vector_store %arg7[%swap3A_277, %swap3A_278], %swap3A_281 {strides = array<i32>} : memref<8x16xf32, #tpu.memory_space<vmem>>, vector<1x16xf32>,
      %eq3A_282 = arith.constant 7 : i32
      %eq3A_283 = vector.broadcast %eq3A_282 : i32 to vector<16xi32>
      %eq3A_284 = arith.cmpi eq, %select_n3A_164, %eq3A_283 : vector<16xi32>
      %eq3A_285 = arith.constant 7 : i32
      %eq3A_286 = vector.broadcast %eq3A_285 : i32 to vector<16xi32>
      %eq3A_287 = arith.cmpi eq, %select_n3A_160, %eq3A_286 : vector<16xi32>
      %jit3A_288 = arith.constant 0.000000e+00 : f32
      %broadcast_in_dim3A_289 = vector.broadcast %jit3A_288 : f32 to vector<16xf32>
      %select_n3A_290 = arith.select %eq3A_287, %div3A_170, %broadcast_in_dim3A_289 : vector<16xi1>, vector<16xf32>
      %select_n3A_291 = arith.select %eq3A_284, %div3A_169, %select_n3A_290 : vector<16xi1>, vector<16xf32>
      %swap3A_292 = arith.constant 7 : i32
      %swap3A_293 = arith.index_cast %swap3A_292 : i32 to index
      %swap3A_294 = arith.constant 0 : index
      %swap3A_295 = tpu.vector_load %arg7[%swap3A_293, %swap3A_294] {strides = array<i32>} : memref<8x16xf32, #tpu.memory_space<vmem>>, vector<1x16xf32>,
      %swap3A_296 = vector.shape_cast %swap3A_295 : vector<1x16xf32> to vector<16xf32>
      %swap3A_297 = vector.shape_cast %select_n3A_291 : vector<16xf32> to vector<1x16xf32>
      tpu.vector_store %arg7[%swap3A_293, %swap3A_294], %swap3A_297 {strides = array<i32>} : memref<8x16xf32, #tpu.memory_space<vmem>>, vector<1x16xf32>,
      "tpu.region"() ({
        %run_scoped3A = tpu.sem_alloc : memref<!tpu.dma_semaphore, #tpu.memory_space<semaphore_mem>>
        %dma_start3A = arith.constant 0 : i32
        %dma_start3A_298 = arith.constant 0 : i32
        %dma_start3A_299 = tpu.memref_slice %arg4[%add3A, %select_n3A_30, %dma_start3A, %dma_start3A_298] : memref<4x4x8x16xf32, #tpu.memory_space<hbm>> -> memref<1x1x8x16xf32, #tpu.memory_space<hbm>>
        %dma_start3A_300 = tpu.memref_squeeze %dma_start3A_299 : memref<1x1x8x16xf32, #tpu.memory_space<hbm>> -> memref<8x16xf32, #tpu.memory_space<hbm>>
        %dma_start3A_301 = arith.constant 0 : i32
        %dma_start3A_302 = arith.constant 0 : i32
        %dma_start3A_303 = tpu.memref_slice %arg4[%add3A, %select_n3A_30, %dma_start3A_301, %dma_start3A_302] : memref<4x4x8x16xf32, #tpu.memory_space<hbm>> -> memref<1x1x8x16xf32, #tpu.memory_space<hbm>>
        %dma_start3A_304 = tpu.memref_squeeze %dma_start3A_303 : memref<1x1x8x16xf32, #tpu.memory_space<hbm>> -> memref<8x16xf32, #tpu.memory_space<hbm>>
        tpu.enqueue_dma source(%arg7 : memref<8x16xf32, #tpu.memory_space<vmem>>) target(%dma_start3A_304 : memref<8x16xf32, #tpu.memory_space<hbm>>) target_semaphore(%run_scoped3A : memref<!tpu.dma_semaphore, #tpu.memory_space<semaphore_mem>>)
        %dma_wait3A = arith.constant 0 : i32
        %dma_wait3A_305 = arith.constant 0 : i32
        %dma_wait3A_306 = tpu.memref_slice %arg4[%add3A, %select_n3A_30, %dma_wait3A, %dma_wait3A_305] : memref<4x4x8x16xf32, #tpu.memory_space<hbm>> -> memref<1x1x8x16xf32, #tpu.memory_space<hbm>>
        %dma_wait3A_307 = tpu.memref_squeeze %dma_wait3A_306 : memref<1x1x8x16xf32, #tpu.memory_space<hbm>> -> memref<8x16xf32, #tpu.memory_space<hbm>>
        %dma_wait3A_308 = arith.constant 0 : i32
        %dma_wait3A_309 = arith.constant 0 : i32
        %dma_wait3A_310 = tpu.memref_slice %arg4[%add3A, %select_n3A_30, %dma_wait3A_308, %dma_wait3A_309] : memref<4x4x8x16xf32, #tpu.memory_space<hbm>> -> memref<1x1x8x16xf32, #tpu.memory_space<hbm>>
        %dma_wait3A_311 = tpu.memref_squeeze %dma_wait3A_310 : memref<1x1x8x16xf32, #tpu.memory_space<hbm>> -> memref<8x16xf32, #tpu.memory_space<hbm>>
        tpu.wait_dma2 semaphore(%run_scoped3A : memref<!tpu.dma_semaphore, #tpu.memory_space<semaphore_mem>>) src(%arg7 : memref<8x16xf32, #tpu.memory_space<vmem>>) dst(%dma_wait3A_311 : memref<8x16xf32, #tpu.memory_space<hbm>>)
        tpu.yield
      }) : () -> ()
    } else {
    }
    return
  }
}

module attributes {stable_mosaic.version = 14 : i64} {
  func.func @_main_body(%arg0: i32, %arg1: memref<4x128x4096xf32, #tpu.memory_space<vmem>>, %arg2: memref<3x64x128xf32, #tpu.memory_space<vmem>>, %arg3: memref<64x1xf32, #tpu.memory_space<vmem>>, %arg4: memref<8x64x64xf32, #tpu.memory_space<vmem>>, %arg5: memref<64x8xf32, #tpu.memory_space<vmem>>, %arg6: memref<64x4xf32, #tpu.memory_space<vmem>>, %arg7: memref<4x4x8xf32, #tpu.memory_space<vmem>>, %arg8: memref<64x4x8xf32, #tpu.memory_space<vmem>>, %arg9: memref<4x64x4094xf32, #tpu.memory_space<vmem>>, %arg10: memref<1x1xf32, #tpu.memory_space<vmem>>) attributes {dimension_semantics = [#tpu.dimension_semantics<arbitrary>], iteration_bounds = array<i64: 16>, scalar_prefetch = 0 : i64, scratch_operands = 0 : i64, tpu.core_type = #tpu.core_type<tc>, window_params = [{transform_indices = @transform_0, window_bounds = array<i64: 4, 128, 4096>}, {pipeline_mode = #tpu.pipeline_mode<synchronous>, transform_indices = @transform_1, window_bounds = array<i64: 3, 64, 128>}, {pipeline_mode = #tpu.pipeline_mode<synchronous>, transform_indices = @transform_2, window_bounds = array<i64: 64, 1>}, {pipeline_mode = #tpu.pipeline_mode<synchronous>, transform_indices = @transform_3, window_bounds = array<i64: 8, 64, 64>}, {pipeline_mode = #tpu.pipeline_mode<synchronous>, transform_indices = @transform_4, window_bounds = array<i64: 64, 8>}, {pipeline_mode = #tpu.pipeline_mode<synchronous>, transform_indices = @transform_5, window_bounds = array<i64: 64, 4>}, {transform_indices = @transform_6, window_bounds = array<i64: 4, 4, 8>}, {pipeline_mode = #tpu.pipeline_mode<synchronous>, transform_indices = @transform_7, window_bounds = array<i64: 64, 4, 8>}, {transform_indices = @transform_8, window_bounds = array<i64: 4, 64, 4094>}, {pipeline_mode = #tpu.pipeline_mode<synchronous>, transform_indices = @transform_9, window_bounds = array<i64: 1, 1>}]} {
    %eq3A = arith.constant 0 : i32
    %eq3A_0 = arith.cmpi eq, %arg0, %eq3A : i32
    %convert_element_type3A = arith.extui %eq3A_0 : i1 to i32
    %cond3A = arith.constant 0 : i32
    %cond3A_1 = arith.cmpi ne, %convert_element_type3A, %cond3A : i32
    scf.if %cond3A_1 {
      %broadcast_in_dim3A_539 = arith.constant 0.000000e+00 : f32
      %broadcast_in_dim3A_540 = vector.broadcast %broadcast_in_dim3A_539 : f32 to vector<1x1xf32>
      %get3A_541 = arith.constant 0 : index
      %get3A_542 = arith.constant 0 : index
      %get3A_543 = arith.constant 0 : index
      %get3A_544 = vector.load %arg8[%get3A_541, %get3A_542, %get3A_543] : memref<64x4x8xf32, #tpu.memory_space<vmem>>, vector<64x1x8xf32>
      %get3A_545 = vector.shape_cast %get3A_544 : vector<64x1x8xf32> to vector<64x8xf32>
      %reduce_sum3A_546 = arith.constant dense<0.000000e+00> : vector<8xf32>
      %reduce_sum3A_547 = vector.multi_reduction <add>, %get3A_545, %reduce_sum3A_546 [0] : vector<64x8xf32> to vector<8xf32>
      %broadcast_in_dim3A_548 = vector.shape_cast %reduce_sum3A_547 : vector<8xf32> to vector<1x8xf32>
      %gt3A = arith.constant 0.000000e+00 : f32
      %gt3A_549 = vector.broadcast %gt3A : f32 to vector<64x8xf32>
      %gt3A_550 = arith.cmpf ogt, %get3A_545, %gt3A_549 : vector<64x8xf32>
      %convert_element_type3A_551 = arith.extui %gt3A_550 : vector<64x8xi1> to vector<64x8xi32>
      %convert_element_type3A_552 = arith.sitofp %convert_element_type3A_551 : vector<64x8xi32> to vector<64x8xf32>
      %reduce_sum3A_553 = arith.constant dense<0.000000e+00> : vector<8xf32>
      %reduce_sum3A_554 = vector.multi_reduction <add>, %convert_element_type3A_552, %reduce_sum3A_553 [0] : vector<64x8xf32> to vector<8xf32>
      %broadcast_in_dim3A_555 = vector.shape_cast %reduce_sum3A_554 : vector<8xf32> to vector<1x8xf32>
      %reduce_sum3A_556 = arith.constant dense<0.000000e+00> : vector<1xf32>
      %reduce_sum3A_557 = vector.multi_reduction <add>, %broadcast_in_dim3A_548, %reduce_sum3A_556 [1] : vector<1x8xf32> to vector<1xf32>
      %broadcast_in_dim3A_558 = vector.shape_cast %reduce_sum3A_557 : vector<1xf32> to vector<1x1xf32>
      %div3A = arith.constant 8.000000e+00 : f32
      %div3A_559 = vector.broadcast %div3A : f32 to vector<1x1xf32>
      %div3A_560 = arith.divf %broadcast_in_dim3A_558, %div3A_559 : vector<1x1xf32>
      %sub3A = vector.broadcast %div3A_560 : vector<1x1xf32> to vector<1x8xf32>
      %sub3A_561 = arith.subf %broadcast_in_dim3A_548, %sub3A : vector<1x8xf32>
      %integer_pow3A = arith.mulf %sub3A_561, %sub3A_561 : vector<1x8xf32>
      %reduce_sum3A_562 = arith.constant dense<0.000000e+00> : vector<1xf32>
      %reduce_sum3A_563 = vector.multi_reduction <add>, %integer_pow3A, %reduce_sum3A_562 [1] : vector<1x8xf32> to vector<1xf32>
      %broadcast_in_dim3A_564 = vector.shape_cast %reduce_sum3A_563 : vector<1xf32> to vector<1x1xf32>
      %div3A_565 = arith.constant 7.000000e+00 : f32
      %div3A_566 = vector.broadcast %div3A_565 : f32 to vector<1x1xf32>
      %div3A_567 = arith.divf %broadcast_in_dim3A_564, %div3A_566 : vector<1x1xf32>
      %mul3A_568 = arith.mulf %div3A_560, %div3A_560 : vector<1x1xf32>
      %add3A_569 = arith.constant 1.000000e-10 : f32
      %add3A_570 = vector.broadcast %add3A_569 : f32 to vector<1x1xf32>
      %add3A_571 = arith.addf %mul3A_568, %add3A_570 : vector<1x1xf32>
      %div3A_572 = arith.divf %div3A_567, %add3A_571 : vector<1x1xf32>
      %reduce_sum3A_573 = arith.constant dense<0.000000e+00> : vector<1xf32>
      %reduce_sum3A_574 = vector.multi_reduction <add>, %broadcast_in_dim3A_555, %reduce_sum3A_573 [1] : vector<1x8xf32> to vector<1xf32>
      %broadcast_in_dim3A_575 = vector.shape_cast %reduce_sum3A_574 : vector<1xf32> to vector<1x1xf32>
      %div3A_576 = arith.constant 8.000000e+00 : f32
      %div3A_577 = vector.broadcast %div3A_576 : f32 to vector<1x1xf32>
      %div3A_578 = arith.divf %broadcast_in_dim3A_575, %div3A_577 : vector<1x1xf32>
      %sub3A_579 = vector.broadcast %div3A_578 : vector<1x1xf32> to vector<1x8xf32>
      %sub3A_580 = arith.subf %broadcast_in_dim3A_555, %sub3A_579 : vector<1x8xf32>
      %integer_pow3A_581 = arith.mulf %sub3A_580, %sub3A_580 : vector<1x8xf32>
      %reduce_sum3A_582 = arith.constant dense<0.000000e+00> : vector<1xf32>
      %reduce_sum3A_583 = vector.multi_reduction <add>, %integer_pow3A_581, %reduce_sum3A_582 [1] : vector<1x8xf32> to vector<1xf32>
      %broadcast_in_dim3A_584 = vector.shape_cast %reduce_sum3A_583 : vector<1xf32> to vector<1x1xf32>
      %div3A_585 = arith.constant 7.000000e+00 : f32
      %div3A_586 = vector.broadcast %div3A_585 : f32 to vector<1x1xf32>
      %div3A_587 = arith.divf %broadcast_in_dim3A_584, %div3A_586 : vector<1x1xf32>
      %mul3A_588 = arith.mulf %div3A_578, %div3A_578 : vector<1x1xf32>
      %add3A_589 = arith.constant 1.000000e-10 : f32
      %add3A_590 = vector.broadcast %add3A_589 : f32 to vector<1x1xf32>
      %add3A_591 = arith.addf %mul3A_588, %add3A_590 : vector<1x1xf32>
      %div3A_592 = arith.divf %div3A_587, %add3A_591 : vector<1x1xf32>
      %add3A_593 = arith.addf %div3A_572, %div3A_592 : vector<1x1xf32>
      %mul3A_594 = arith.constant 0.00999999977 : f32
      %mul3A_595 = vector.broadcast %mul3A_594 : f32 to vector<1x1xf32>
      %mul3A_596 = arith.mulf %add3A_593, %mul3A_595 : vector<1x1xf32>
      %add3A_597 = arith.addf %broadcast_in_dim3A_540, %mul3A_596 : vector<1x1xf32>
      %get3A_598 = arith.constant 0 : index
      %get3A_599 = arith.constant 1 : index
      %get3A_600 = arith.constant 0 : index
      %get3A_601 = vector.load %arg8[%get3A_598, %get3A_599, %get3A_600] : memref<64x4x8xf32, #tpu.memory_space<vmem>>, vector<64x1x8xf32>
      %get3A_602 = vector.shape_cast %get3A_601 : vector<64x1x8xf32> to vector<64x8xf32>
      %reduce_sum3A_603 = arith.constant dense<0.000000e+00> : vector<8xf32>
      %reduce_sum3A_604 = vector.multi_reduction <add>, %get3A_602, %reduce_sum3A_603 [0] : vector<64x8xf32> to vector<8xf32>
      %broadcast_in_dim3A_605 = vector.shape_cast %reduce_sum3A_604 : vector<8xf32> to vector<1x8xf32>
      %gt3A_606 = arith.constant 0.000000e+00 : f32
      %gt3A_607 = vector.broadcast %gt3A_606 : f32 to vector<64x8xf32>
      %gt3A_608 = arith.cmpf ogt, %get3A_602, %gt3A_607 : vector<64x8xf32>
      %convert_element_type3A_609 = arith.extui %gt3A_608 : vector<64x8xi1> to vector<64x8xi32>
      %convert_element_type3A_610 = arith.sitofp %convert_element_type3A_609 : vector<64x8xi32> to vector<64x8xf32>
      %reduce_sum3A_611 = arith.constant dense<0.000000e+00> : vector<8xf32>
      %reduce_sum3A_612 = vector.multi_reduction <add>, %convert_element_type3A_610, %reduce_sum3A_611 [0] : vector<64x8xf32> to vector<8xf32>
      %broadcast_in_dim3A_613 = vector.shape_cast %reduce_sum3A_612 : vector<8xf32> to vector<1x8xf32>
      %reduce_sum3A_614 = arith.constant dense<0.000000e+00> : vector<1xf32>
      %reduce_sum3A_615 = vector.multi_reduction <add>, %broadcast_in_dim3A_605, %reduce_sum3A_614 [1] : vector<1x8xf32> to vector<1xf32>
      %broadcast_in_dim3A_616 = vector.shape_cast %reduce_sum3A_615 : vector<1xf32> to vector<1x1xf32>
      %div3A_617 = arith.constant 8.000000e+00 : f32
      %div3A_618 = vector.broadcast %div3A_617 : f32 to vector<1x1xf32>
      %div3A_619 = arith.divf %broadcast_in_dim3A_616, %div3A_618 : vector<1x1xf32>
      %sub3A_620 = vector.broadcast %div3A_619 : vector<1x1xf32> to vector<1x8xf32>
      %sub3A_621 = arith.subf %broadcast_in_dim3A_605, %sub3A_620 : vector<1x8xf32>
      %integer_pow3A_622 = arith.mulf %sub3A_621, %sub3A_621 : vector<1x8xf32>
      %reduce_sum3A_623 = arith.constant dense<0.000000e+00> : vector<1xf32>
      %reduce_sum3A_624 = vector.multi_reduction <add>, %integer_pow3A_622, %reduce_sum3A_623 [1] : vector<1x8xf32> to vector<1xf32>
      %broadcast_in_dim3A_625 = vector.shape_cast %reduce_sum3A_624 : vector<1xf32> to vector<1x1xf32>
      %div3A_626 = arith.constant 7.000000e+00 : f32
      %div3A_627 = vector.broadcast %div3A_626 : f32 to vector<1x1xf32>
      %div3A_628 = arith.divf %broadcast_in_dim3A_625, %div3A_627 : vector<1x1xf32>
      %mul3A_629 = arith.mulf %div3A_619, %div3A_619 : vector<1x1xf32>
      %add3A_630 = arith.constant 1.000000e-10 : f32
      %add3A_631 = vector.broadcast %add3A_630 : f32 to vector<1x1xf32>
      %add3A_632 = arith.addf %mul3A_629, %add3A_631 : vector<1x1xf32>
      %div3A_633 = arith.divf %div3A_628, %add3A_632 : vector<1x1xf32>
      %reduce_sum3A_634 = arith.constant dense<0.000000e+00> : vector<1xf32>
      %reduce_sum3A_635 = vector.multi_reduction <add>, %broadcast_in_dim3A_613, %reduce_sum3A_634 [1] : vector<1x8xf32> to vector<1xf32>
      %broadcast_in_dim3A_636 = vector.shape_cast %reduce_sum3A_635 : vector<1xf32> to vector<1x1xf32>
      %div3A_637 = arith.constant 8.000000e+00 : f32
      %div3A_638 = vector.broadcast %div3A_637 : f32 to vector<1x1xf32>
      %div3A_639 = arith.divf %broadcast_in_dim3A_636, %div3A_638 : vector<1x1xf32>
      %sub3A_640 = vector.broadcast %div3A_639 : vector<1x1xf32> to vector<1x8xf32>
      %sub3A_641 = arith.subf %broadcast_in_dim3A_613, %sub3A_640 : vector<1x8xf32>
      %integer_pow3A_642 = arith.mulf %sub3A_641, %sub3A_641 : vector<1x8xf32>
      %reduce_sum3A_643 = arith.constant dense<0.000000e+00> : vector<1xf32>
      %reduce_sum3A_644 = vector.multi_reduction <add>, %integer_pow3A_642, %reduce_sum3A_643 [1] : vector<1x8xf32> to vector<1xf32>
      %broadcast_in_dim3A_645 = vector.shape_cast %reduce_sum3A_644 : vector<1xf32> to vector<1x1xf32>
      %div3A_646 = arith.constant 7.000000e+00 : f32
      %div3A_647 = vector.broadcast %div3A_646 : f32 to vector<1x1xf32>
      %div3A_648 = arith.divf %broadcast_in_dim3A_645, %div3A_647 : vector<1x1xf32>
      %mul3A_649 = arith.mulf %div3A_639, %div3A_639 : vector<1x1xf32>
      %add3A_650 = arith.constant 1.000000e-10 : f32
      %add3A_651 = vector.broadcast %add3A_650 : f32 to vector<1x1xf32>
      %add3A_652 = arith.addf %mul3A_649, %add3A_651 : vector<1x1xf32>
      %div3A_653 = arith.divf %div3A_648, %add3A_652 : vector<1x1xf32>
      %add3A_654 = arith.addf %div3A_633, %div3A_653 : vector<1x1xf32>
      %mul3A_655 = arith.constant 0.00999999977 : f32
      %mul3A_656 = vector.broadcast %mul3A_655 : f32 to vector<1x1xf32>
      %mul3A_657 = arith.mulf %add3A_654, %mul3A_656 : vector<1x1xf32>
      %add3A_658 = arith.addf %add3A_597, %mul3A_657 : vector<1x1xf32>
      %get3A_659 = arith.constant 0 : index
      %get3A_660 = arith.constant 2 : index
      %get3A_661 = arith.constant 0 : index
      %get3A_662 = vector.load %arg8[%get3A_659, %get3A_660, %get3A_661] : memref<64x4x8xf32, #tpu.memory_space<vmem>>, vector<64x1x8xf32>
      %get3A_663 = vector.shape_cast %get3A_662 : vector<64x1x8xf32> to vector<64x8xf32>
      %reduce_sum3A_664 = arith.constant dense<0.000000e+00> : vector<8xf32>
      %reduce_sum3A_665 = vector.multi_reduction <add>, %get3A_663, %reduce_sum3A_664 [0] : vector<64x8xf32> to vector<8xf32>
      %broadcast_in_dim3A_666 = vector.shape_cast %reduce_sum3A_665 : vector<8xf32> to vector<1x8xf32>
      %gt3A_667 = arith.constant 0.000000e+00 : f32
      %gt3A_668 = vector.broadcast %gt3A_667 : f32 to vector<64x8xf32>
      %gt3A_669 = arith.cmpf ogt, %get3A_663, %gt3A_668 : vector<64x8xf32>
      %convert_element_type3A_670 = arith.extui %gt3A_669 : vector<64x8xi1> to vector<64x8xi32>
      %convert_element_type3A_671 = arith.sitofp %convert_element_type3A_670 : vector<64x8xi32> to vector<64x8xf32>
      %reduce_sum3A_672 = arith.constant dense<0.000000e+00> : vector<8xf32>
      %reduce_sum3A_673 = vector.multi_reduction <add>, %convert_element_type3A_671, %reduce_sum3A_672 [0] : vector<64x8xf32> to vector<8xf32>
      %broadcast_in_dim3A_674 = vector.shape_cast %reduce_sum3A_673 : vector<8xf32> to vector<1x8xf32>
      %reduce_sum3A_675 = arith.constant dense<0.000000e+00> : vector<1xf32>
      %reduce_sum3A_676 = vector.multi_reduction <add>, %broadcast_in_dim3A_666, %reduce_sum3A_675 [1] : vector<1x8xf32> to vector<1xf32>
      %broadcast_in_dim3A_677 = vector.shape_cast %reduce_sum3A_676 : vector<1xf32> to vector<1x1xf32>
      %div3A_678 = arith.constant 8.000000e+00 : f32
      %div3A_679 = vector.broadcast %div3A_678 : f32 to vector<1x1xf32>
      %div3A_680 = arith.divf %broadcast_in_dim3A_677, %div3A_679 : vector<1x1xf32>
      %sub3A_681 = vector.broadcast %div3A_680 : vector<1x1xf32> to vector<1x8xf32>
      %sub3A_682 = arith.subf %broadcast_in_dim3A_666, %sub3A_681 : vector<1x8xf32>
      %integer_pow3A_683 = arith.mulf %sub3A_682, %sub3A_682 : vector<1x8xf32>
      %reduce_sum3A_684 = arith.constant dense<0.000000e+00> : vector<1xf32>
      %reduce_sum3A_685 = vector.multi_reduction <add>, %integer_pow3A_683, %reduce_sum3A_684 [1] : vector<1x8xf32> to vector<1xf32>
      %broadcast_in_dim3A_686 = vector.shape_cast %reduce_sum3A_685 : vector<1xf32> to vector<1x1xf32>
      %div3A_687 = arith.constant 7.000000e+00 : f32
      %div3A_688 = vector.broadcast %div3A_687 : f32 to vector<1x1xf32>
      %div3A_689 = arith.divf %broadcast_in_dim3A_686, %div3A_688 : vector<1x1xf32>
      %mul3A_690 = arith.mulf %div3A_680, %div3A_680 : vector<1x1xf32>
      %add3A_691 = arith.constant 1.000000e-10 : f32
      %add3A_692 = vector.broadcast %add3A_691 : f32 to vector<1x1xf32>
      %add3A_693 = arith.addf %mul3A_690, %add3A_692 : vector<1x1xf32>
      %div3A_694 = arith.divf %div3A_689, %add3A_693 : vector<1x1xf32>
      %reduce_sum3A_695 = arith.constant dense<0.000000e+00> : vector<1xf32>
      %reduce_sum3A_696 = vector.multi_reduction <add>, %broadcast_in_dim3A_674, %reduce_sum3A_695 [1] : vector<1x8xf32> to vector<1xf32>
      %broadcast_in_dim3A_697 = vector.shape_cast %reduce_sum3A_696 : vector<1xf32> to vector<1x1xf32>
      %div3A_698 = arith.constant 8.000000e+00 : f32
      %div3A_699 = vector.broadcast %div3A_698 : f32 to vector<1x1xf32>
      %div3A_700 = arith.divf %broadcast_in_dim3A_697, %div3A_699 : vector<1x1xf32>
      %sub3A_701 = vector.broadcast %div3A_700 : vector<1x1xf32> to vector<1x8xf32>
      %sub3A_702 = arith.subf %broadcast_in_dim3A_674, %sub3A_701 : vector<1x8xf32>
      %integer_pow3A_703 = arith.mulf %sub3A_702, %sub3A_702 : vector<1x8xf32>
      %reduce_sum3A_704 = arith.constant dense<0.000000e+00> : vector<1xf32>
      %reduce_sum3A_705 = vector.multi_reduction <add>, %integer_pow3A_703, %reduce_sum3A_704 [1] : vector<1x8xf32> to vector<1xf32>
      %broadcast_in_dim3A_706 = vector.shape_cast %reduce_sum3A_705 : vector<1xf32> to vector<1x1xf32>
      %div3A_707 = arith.constant 7.000000e+00 : f32
      %div3A_708 = vector.broadcast %div3A_707 : f32 to vector<1x1xf32>
      %div3A_709 = arith.divf %broadcast_in_dim3A_706, %div3A_708 : vector<1x1xf32>
      %mul3A_710 = arith.mulf %div3A_700, %div3A_700 : vector<1x1xf32>
      %add3A_711 = arith.constant 1.000000e-10 : f32
      %add3A_712 = vector.broadcast %add3A_711 : f32 to vector<1x1xf32>
      %add3A_713 = arith.addf %mul3A_710, %add3A_712 : vector<1x1xf32>
      %div3A_714 = arith.divf %div3A_709, %add3A_713 : vector<1x1xf32>
      %add3A_715 = arith.addf %div3A_694, %div3A_714 : vector<1x1xf32>
      %mul3A_716 = arith.constant 0.00999999977 : f32
      %mul3A_717 = vector.broadcast %mul3A_716 : f32 to vector<1x1xf32>
      %mul3A_718 = arith.mulf %add3A_715, %mul3A_717 : vector<1x1xf32>
      %add3A_719 = arith.addf %add3A_658, %mul3A_718 : vector<1x1xf32>
      %get3A_720 = arith.constant 0 : index
      %get3A_721 = arith.constant 3 : index
      %get3A_722 = arith.constant 0 : index
      %get3A_723 = vector.load %arg8[%get3A_720, %get3A_721, %get3A_722] : memref<64x4x8xf32, #tpu.memory_space<vmem>>, vector<64x1x8xf32>
      %get3A_724 = vector.shape_cast %get3A_723 : vector<64x1x8xf32> to vector<64x8xf32>
      %reduce_sum3A_725 = arith.constant dense<0.000000e+00> : vector<8xf32>
      %reduce_sum3A_726 = vector.multi_reduction <add>, %get3A_724, %reduce_sum3A_725 [0] : vector<64x8xf32> to vector<8xf32>
      %broadcast_in_dim3A_727 = vector.shape_cast %reduce_sum3A_726 : vector<8xf32> to vector<1x8xf32>
      %gt3A_728 = arith.constant 0.000000e+00 : f32
      %gt3A_729 = vector.broadcast %gt3A_728 : f32 to vector<64x8xf32>
      %gt3A_730 = arith.cmpf ogt, %get3A_724, %gt3A_729 : vector<64x8xf32>
      %convert_element_type3A_731 = arith.extui %gt3A_730 : vector<64x8xi1> to vector<64x8xi32>
      %convert_element_type3A_732 = arith.sitofp %convert_element_type3A_731 : vector<64x8xi32> to vector<64x8xf32>
      %reduce_sum3A_733 = arith.constant dense<0.000000e+00> : vector<8xf32>
      %reduce_sum3A_734 = vector.multi_reduction <add>, %convert_element_type3A_732, %reduce_sum3A_733 [0] : vector<64x8xf32> to vector<8xf32>
      %broadcast_in_dim3A_735 = vector.shape_cast %reduce_sum3A_734 : vector<8xf32> to vector<1x8xf32>
      %reduce_sum3A_736 = arith.constant dense<0.000000e+00> : vector<1xf32>
      %reduce_sum3A_737 = vector.multi_reduction <add>, %broadcast_in_dim3A_727, %reduce_sum3A_736 [1] : vector<1x8xf32> to vector<1xf32>
      %broadcast_in_dim3A_738 = vector.shape_cast %reduce_sum3A_737 : vector<1xf32> to vector<1x1xf32>
      %div3A_739 = arith.constant 8.000000e+00 : f32
      %div3A_740 = vector.broadcast %div3A_739 : f32 to vector<1x1xf32>
      %div3A_741 = arith.divf %broadcast_in_dim3A_738, %div3A_740 : vector<1x1xf32>
      %sub3A_742 = vector.broadcast %div3A_741 : vector<1x1xf32> to vector<1x8xf32>
      %sub3A_743 = arith.subf %broadcast_in_dim3A_727, %sub3A_742 : vector<1x8xf32>
      %integer_pow3A_744 = arith.mulf %sub3A_743, %sub3A_743 : vector<1x8xf32>
      %reduce_sum3A_745 = arith.constant dense<0.000000e+00> : vector<1xf32>
      %reduce_sum3A_746 = vector.multi_reduction <add>, %integer_pow3A_744, %reduce_sum3A_745 [1] : vector<1x8xf32> to vector<1xf32>
      %broadcast_in_dim3A_747 = vector.shape_cast %reduce_sum3A_746 : vector<1xf32> to vector<1x1xf32>
      %div3A_748 = arith.constant 7.000000e+00 : f32
      %div3A_749 = vector.broadcast %div3A_748 : f32 to vector<1x1xf32>
      %div3A_750 = arith.divf %broadcast_in_dim3A_747, %div3A_749 : vector<1x1xf32>
      %mul3A_751 = arith.mulf %div3A_741, %div3A_741 : vector<1x1xf32>
      %add3A_752 = arith.constant 1.000000e-10 : f32
      %add3A_753 = vector.broadcast %add3A_752 : f32 to vector<1x1xf32>
      %add3A_754 = arith.addf %mul3A_751, %add3A_753 : vector<1x1xf32>
      %div3A_755 = arith.divf %div3A_750, %add3A_754 : vector<1x1xf32>
      %reduce_sum3A_756 = arith.constant dense<0.000000e+00> : vector<1xf32>
      %reduce_sum3A_757 = vector.multi_reduction <add>, %broadcast_in_dim3A_735, %reduce_sum3A_756 [1] : vector<1x8xf32> to vector<1xf32>
      %broadcast_in_dim3A_758 = vector.shape_cast %reduce_sum3A_757 : vector<1xf32> to vector<1x1xf32>
      %div3A_759 = arith.constant 8.000000e+00 : f32
      %div3A_760 = vector.broadcast %div3A_759 : f32 to vector<1x1xf32>
      %div3A_761 = arith.divf %broadcast_in_dim3A_758, %div3A_760 : vector<1x1xf32>
      %sub3A_762 = vector.broadcast %div3A_761 : vector<1x1xf32> to vector<1x8xf32>
      %sub3A_763 = arith.subf %broadcast_in_dim3A_735, %sub3A_762 : vector<1x8xf32>
      %integer_pow3A_764 = arith.mulf %sub3A_763, %sub3A_763 : vector<1x8xf32>
      %reduce_sum3A_765 = arith.constant dense<0.000000e+00> : vector<1xf32>
      %reduce_sum3A_766 = vector.multi_reduction <add>, %integer_pow3A_764, %reduce_sum3A_765 [1] : vector<1x8xf32> to vector<1xf32>
      %broadcast_in_dim3A_767 = vector.shape_cast %reduce_sum3A_766 : vector<1xf32> to vector<1x1xf32>
      %div3A_768 = arith.constant 7.000000e+00 : f32
      %div3A_769 = vector.broadcast %div3A_768 : f32 to vector<1x1xf32>
      %div3A_770 = arith.divf %broadcast_in_dim3A_767, %div3A_769 : vector<1x1xf32>
      %mul3A_771 = arith.mulf %div3A_761, %div3A_761 : vector<1x1xf32>
      %add3A_772 = arith.constant 1.000000e-10 : f32
      %add3A_773 = vector.broadcast %add3A_772 : f32 to vector<1x1xf32>
      %add3A_774 = arith.addf %mul3A_771, %add3A_773 : vector<1x1xf32>
      %div3A_775 = arith.divf %div3A_770, %add3A_774 : vector<1x1xf32>
      %add3A_776 = arith.addf %div3A_755, %div3A_775 : vector<1x1xf32>
      %mul3A_777 = arith.constant 0.00999999977 : f32
      %mul3A_778 = vector.broadcast %mul3A_777 : f32 to vector<1x1xf32>
      %mul3A_779 = arith.mulf %add3A_776, %mul3A_778 : vector<1x1xf32>
      %add3A_780 = arith.addf %add3A_719, %mul3A_779 : vector<1x1xf32>
      %swap3A_781 = arith.constant 0 : index
      %swap3A_782 = arith.constant 0 : index
      %swap3A_783 = vector.load %arg10[%swap3A_781, %swap3A_782] : memref<1x1xf32, #tpu.memory_space<vmem>>, vector<1x1xf32>
      tpu.vector_store %arg10[%swap3A_781, %swap3A_782], %add3A_780 {strides = array<i32>} : memref<1x1xf32, #tpu.memory_space<vmem>>, vector<1x1xf32>,
    } else {
    }
    %get3A = arith.constant 0 : index
    %get3A_2 = arith.constant 0 : index
    %get3A_3 = arith.constant 0 : index
    %get3A_4 = vector.load %arg1[%get3A, %get3A_2, %get3A_3] : memref<4x128x4096xf32, #tpu.memory_space<vmem>>, vector<1x128x4096xf32>
    %get3A_5 = vector.shape_cast %get3A_4 : vector<1x128x4096xf32> to vector<128x4096xf32>
    %convert_element_type3A_6 = arith.truncf %get3A_5 : vector<128x4096xf32> to vector<128x4096xbf16>
    %get3A_7 = arith.constant 0 : index
    %get3A_8 = arith.constant 0 : index
    %get3A_9 = arith.constant 0 : index
    %get3A_10 = vector.load %arg2[%get3A_7, %get3A_8, %get3A_9] : memref<3x64x128xf32, #tpu.memory_space<vmem>>, vector<3x64x128xf32>
    %convert_element_type3A_11 = arith.truncf %get3A_10 : vector<3x64x128xf32> to vector<3x64x128xbf16>
    %slice3A = vector.extract_strided_slice %convert_element_type3A_11 {offsets = [0, 0, 0], sizes = [1, 64, 128], strides = [1, 1, 1]} : vector<3x64x128xbf16> to vector<1x64x128xbf16>
    %squeeze3A = vector.shape_cast %slice3A : vector<1x64x128xbf16> to vector<64x128xbf16>
    %dot_general3A = arith.constant dense<0.000000e+00> : vector<64x4096xf32>
    %dot_general3A_12 = tpu.matmul %squeeze3A, %convert_element_type3A_6, %dot_general3A {dimension_numbers = #tpu.dot_dimension_numbers<[1], [0], [0], [1], [0, 0, 1, 1], [], []>, transpose_lhs_hint = false} : vector<64x128xbf16>, vector<128x4096xbf16>, vector<64x4096xf32> -> vector<64x4096xf32>
    %slice3A_13 = vector.extract_strided_slice %convert_element_type3A_11 {offsets = [1, 0, 0], sizes = [1, 64, 128], strides = [1, 1, 1]} : vector<3x64x128xbf16> to vector<1x64x128xbf16>
    %squeeze3A_14 = vector.shape_cast %slice3A_13 : vector<1x64x128xbf16> to vector<64x128xbf16>
    %dot_general3A_15 = arith.constant dense<0.000000e+00> : vector<64x4096xf32>
    %dot_general3A_16 = tpu.matmul %squeeze3A_14, %convert_element_type3A_6, %dot_general3A_15 {dimension_numbers = #tpu.dot_dimension_numbers<[1], [0], [0], [1], [0, 0, 1, 1], [], []>, transpose_lhs_hint = false} : vector<64x128xbf16>, vector<128x4096xbf16>, vector<64x4096xf32> -> vector<64x4096xf32>
    %slice3A_17 = vector.extract_strided_slice %convert_element_type3A_11 {offsets = [2, 0, 0], sizes = [1, 64, 128], strides = [1, 1, 1]} : vector<3x64x128xbf16> to vector<1x64x128xbf16>
    %squeeze3A_18 = vector.shape_cast %slice3A_17 : vector<1x64x128xbf16> to vector<64x128xbf16>
    %dot_general3A_19 = arith.constant dense<0.000000e+00> : vector<64x4096xf32>
    %dot_general3A_20 = tpu.matmul %squeeze3A_18, %convert_element_type3A_6, %dot_general3A_19 {dimension_numbers = #tpu.dot_dimension_numbers<[1], [0], [0], [1], [0, 0, 1, 1], [], []>, transpose_lhs_hint = false} : vector<64x128xbf16>, vector<128x4096xbf16>, vector<64x4096xf32> -> vector<64x4096xf32>
    %roll3A = arith.constant 4095 : i32
    %roll3A_21 = tpu.dynamic_rotate %dot_general3A_16 by %roll3A dim 1 : vector<64x4096xf32>, i32 -> vector<64x4096xf32>
    %add3A = arith.addf %dot_general3A_12, %roll3A_21 : vector<64x4096xf32>
    %roll3A_22 = arith.constant 4094 : i32
    %roll3A_23 = tpu.dynamic_rotate %dot_general3A_20 by %roll3A_22 dim 1 : vector<64x4096xf32>, i32 -> vector<64x4096xf32>
    %add3A_24 = arith.addf %add3A, %roll3A_23 : vector<64x4096xf32>
    %get3A_25 = arith.constant 0 : index
    %get3A_26 = arith.constant 0 : index
    %get3A_27 = vector.load %arg3[%get3A_25, %get3A_26] : memref<64x1xf32, #tpu.memory_space<vmem>>, vector<64x1xf32>
    %add3A_28 = vector.broadcast %get3A_27 : vector<64x1xf32> to vector<64x4096xf32>
    %add3A_29 = arith.addf %add3A_24, %add3A_28 : vector<64x4096xf32>
    %tanh3A = math.tanh %add3A_29 : vector<64x4096xf32>
    %get3A_30 = arith.constant 0 : index
    %get3A_31 = arith.constant 0 : index
    %get3A_32 = arith.constant 0 : index
    %get3A_33 = vector.load %arg7[%get3A_30, %get3A_31, %get3A_32] : memref<4x4x8xf32, #tpu.memory_space<vmem>>, vector<1x4x8xf32>
    %get3A_34 = vector.shape_cast %get3A_33 : vector<1x4x8xf32> to vector<4x8xf32>
    %get3A_35 = arith.constant 0 : index
    %get3A_36 = arith.constant 0 : index
    %get3A_37 = vector.load %arg6[%get3A_35, %get3A_36] : memref<64x4xf32, #tpu.memory_space<vmem>>, vector<64x4xf32>
    %dot_general3A_38 = arith.constant dense<0.000000e+00> : vector<64x8xf32>
    %dot_general3A_39 = tpu.matmul %get3A_37, %get3A_34, %dot_general3A_38 {dimension_numbers = #tpu.dot_dimension_numbers<[1], [0], [0], [1], [0, 0, 1, 1], [], []>, transpose_lhs_hint = false} : vector<64x4xf32>, vector<4x8xf32>, vector<64x8xf32> -> vector<64x8xf32>
    %broadcast_in_dim3A = arith.constant 0.000000e+00 : f32
    %broadcast_in_dim3A_40 = vector.broadcast %broadcast_in_dim3A : f32 to vector<64x64xf32>
    %get3A_41 = arith.constant 0 : index
    %get3A_42 = arith.constant 0 : index
    %get3A_43 = arith.constant 0 : index
    %get3A_44 = vector.load %arg4[%get3A_41, %get3A_42, %get3A_43] : memref<8x64x64xf32, #tpu.memory_space<vmem>>, vector<1x64x64xf32>
    %get3A_45 = vector.shape_cast %get3A_44 : vector<1x64x64xf32> to vector<64x64xf32>
    %slice3A_46 = vector.extract_strided_slice %dot_general3A_39 {offsets = [0, 0], sizes = [64, 1], strides = [1, 1]} : vector<64x8xf32> to vector<64x1xf32>
    %mul3A = vector.broadcast %slice3A_46 : vector<64x1xf32> to vector<64x64xf32>
    %mul3A_47 = arith.mulf %get3A_45, %mul3A : vector<64x64xf32>
    %add3A_48 = arith.addf %broadcast_in_dim3A_40, %mul3A_47 : vector<64x64xf32>
    %get3A_49 = arith.constant 1 : index
    %get3A_50 = arith.constant 0 : index
    %get3A_51 = arith.constant 0 : index
    %get3A_52 = vector.load %arg4[%get3A_49, %get3A_50, %get3A_51] : memref<8x64x64xf32, #tpu.memory_space<vmem>>, vector<1x64x64xf32>
    %get3A_53 = vector.shape_cast %get3A_52 : vector<1x64x64xf32> to vector<64x64xf32>
    %slice3A_54 = vector.extract_strided_slice %dot_general3A_39 {offsets = [0, 1], sizes = [64, 1], strides = [1, 1]} : vector<64x8xf32> to vector<64x1xf32>
    %mul3A_55 = vector.broadcast %slice3A_54 : vector<64x1xf32> to vector<64x64xf32>
    %mul3A_56 = arith.mulf %get3A_53, %mul3A_55 : vector<64x64xf32>
    %add3A_57 = arith.addf %add3A_48, %mul3A_56 : vector<64x64xf32>
    %get3A_58 = arith.constant 2 : index
    %get3A_59 = arith.constant 0 : index
    %get3A_60 = arith.constant 0 : index
    %get3A_61 = vector.load %arg4[%get3A_58, %get3A_59, %get3A_60] : memref<8x64x64xf32, #tpu.memory_space<vmem>>, vector<1x64x64xf32>
    %get3A_62 = vector.shape_cast %get3A_61 : vector<1x64x64xf32> to vector<64x64xf32>
    %slice3A_63 = vector.extract_strided_slice %dot_general3A_39 {offsets = [0, 2], sizes = [64, 1], strides = [1, 1]} : vector<64x8xf32> to vector<64x1xf32>
    %mul3A_64 = vector.broadcast %slice3A_63 : vector<64x1xf32> to vector<64x64xf32>
    %mul3A_65 = arith.mulf %get3A_62, %mul3A_64 : vector<64x64xf32>
    %add3A_66 = arith.addf %add3A_57, %mul3A_65 : vector<64x64xf32>
    %get3A_67 = arith.constant 3 : index
    %get3A_68 = arith.constant 0 : index
    %get3A_69 = arith.constant 0 : index
    %get3A_70 = vector.load %arg4[%get3A_67, %get3A_68, %get3A_69] : memref<8x64x64xf32, #tpu.memory_space<vmem>>, vector<1x64x64xf32>
    %get3A_71 = vector.shape_cast %get3A_70 : vector<1x64x64xf32> to vector<64x64xf32>
    %slice3A_72 = vector.extract_strided_slice %dot_general3A_39 {offsets = [0, 3], sizes = [64, 1], strides = [1, 1]} : vector<64x8xf32> to vector<64x1xf32>
    %mul3A_73 = vector.broadcast %slice3A_72 : vector<64x1xf32> to vector<64x64xf32>
    %mul3A_74 = arith.mulf %get3A_71, %mul3A_73 : vector<64x64xf32>
    %add3A_75 = arith.addf %add3A_66, %mul3A_74 : vector<64x64xf32>
    %get3A_76 = arith.constant 4 : index
    %get3A_77 = arith.constant 0 : index
    %get3A_78 = arith.constant 0 : index
    %get3A_79 = vector.load %arg4[%get3A_76, %get3A_77, %get3A_78] : memref<8x64x64xf32, #tpu.memory_space<vmem>>, vector<1x64x64xf32>
    %get3A_80 = vector.shape_cast %get3A_79 : vector<1x64x64xf32> to vector<64x64xf32>
    %slice3A_81 = vector.extract_strided_slice %dot_general3A_39 {offsets = [0, 4], sizes = [64, 1], strides = [1, 1]} : vector<64x8xf32> to vector<64x1xf32>
    %mul3A_82 = vector.broadcast %slice3A_81 : vector<64x1xf32> to vector<64x64xf32>
    %mul3A_83 = arith.mulf %get3A_80, %mul3A_82 : vector<64x64xf32>
    %add3A_84 = arith.addf %add3A_75, %mul3A_83 : vector<64x64xf32>
    %get3A_85 = arith.constant 5 : index
    %get3A_86 = arith.constant 0 : index
    %get3A_87 = arith.constant 0 : index
    %get3A_88 = vector.load %arg4[%get3A_85, %get3A_86, %get3A_87] : memref<8x64x64xf32, #tpu.memory_space<vmem>>, vector<1x64x64xf32>
    %get3A_89 = vector.shape_cast %get3A_88 : vector<1x64x64xf32> to vector<64x64xf32>
    %slice3A_90 = vector.extract_strided_slice %dot_general3A_39 {offsets = [0, 5], sizes = [64, 1], strides = [1, 1]} : vector<64x8xf32> to vector<64x1xf32>
    %mul3A_91 = vector.broadcast %slice3A_90 : vector<64x1xf32> to vector<64x64xf32>
    %mul3A_92 = arith.mulf %get3A_89, %mul3A_91 : vector<64x64xf32>
    %add3A_93 = arith.addf %add3A_84, %mul3A_92 : vector<64x64xf32>
    %get3A_94 = arith.constant 6 : index
    %get3A_95 = arith.constant 0 : index
    %get3A_96 = arith.constant 0 : index
    %get3A_97 = vector.load %arg4[%get3A_94, %get3A_95, %get3A_96] : memref<8x64x64xf32, #tpu.memory_space<vmem>>, vector<1x64x64xf32>
    %get3A_98 = vector.shape_cast %get3A_97 : vector<1x64x64xf32> to vector<64x64xf32>
    %slice3A_99 = vector.extract_strided_slice %dot_general3A_39 {offsets = [0, 6], sizes = [64, 1], strides = [1, 1]} : vector<64x8xf32> to vector<64x1xf32>
    %mul3A_100 = vector.broadcast %slice3A_99 : vector<64x1xf32> to vector<64x64xf32>
    %mul3A_101 = arith.mulf %get3A_98, %mul3A_100 : vector<64x64xf32>
    %add3A_102 = arith.addf %add3A_93, %mul3A_101 : vector<64x64xf32>
    %get3A_103 = arith.constant 7 : index
    %get3A_104 = arith.constant 0 : index
    %get3A_105 = arith.constant 0 : index
    %get3A_106 = vector.load %arg4[%get3A_103, %get3A_104, %get3A_105] : memref<8x64x64xf32, #tpu.memory_space<vmem>>, vector<1x64x64xf32>
    %get3A_107 = vector.shape_cast %get3A_106 : vector<1x64x64xf32> to vector<64x64xf32>
    %slice3A_108 = vector.extract_strided_slice %dot_general3A_39 {offsets = [0, 7], sizes = [64, 1], strides = [1, 1]} : vector<64x8xf32> to vector<64x1xf32>
    %mul3A_109 = vector.broadcast %slice3A_108 : vector<64x1xf32> to vector<64x64xf32>
    %mul3A_110 = arith.mulf %get3A_107, %mul3A_109 : vector<64x64xf32>
    %add3A_111 = arith.addf %add3A_102, %mul3A_110 : vector<64x64xf32>
    %get3A_112 = arith.constant 0 : index
    %get3A_113 = arith.constant 0 : index
    %get3A_114 = vector.load %arg5[%get3A_112, %get3A_113] : memref<64x8xf32, #tpu.memory_space<vmem>>, vector<64x8xf32>
    %mul3A_115 = arith.mulf %get3A_114, %dot_general3A_39 : vector<64x8xf32>
    %reduce_sum3A = arith.constant dense<0.000000e+00> : vector<64xf32>
    %reduce_sum3A_116 = vector.multi_reduction <add>, %mul3A_115, %reduce_sum3A [1] : vector<64x8xf32> to vector<64xf32>
    %broadcast_in_dim3A_117 = vector.shape_cast %reduce_sum3A_116 : vector<64xf32> to vector<64x1xf32>
    %dot_general3A_118 = arith.constant dense<0.000000e+00> : vector<64x4096xf32>
    %dot_general3A_119 = tpu.matmul %add3A_111, %tanh3A, %dot_general3A_118 {dimension_numbers = #tpu.dot_dimension_numbers<[1], [0], [0], [1], [0, 0, 1, 1], [], []>, transpose_lhs_hint = false} : vector<64x64xf32>, vector<64x4096xf32>, vector<64x4096xf32> -> vector<64x4096xf32>
    %add3A_120 = vector.broadcast %broadcast_in_dim3A_117 : vector<64x1xf32> to vector<64x4096xf32>
    %add3A_121 = arith.addf %dot_general3A_119, %add3A_120 : vector<64x4096xf32>
    %slice3A_122 = vector.extract_strided_slice %add3A_121 {offsets = [0, 0], sizes = [64, 4094], strides = [1, 1]} : vector<64x4096xf32> to vector<64x4094xf32>
    %swap3A = arith.constant 0 : index
    %swap3A_123 = arith.constant 0 : index
    %swap3A_124 = arith.constant 0 : index
    %swap3A_125 = vector.load %arg9[%swap3A, %swap3A_123, %swap3A_124] : memref<4x64x4094xf32, #tpu.memory_space<vmem>>, vector<1x64x4094xf32>
    %swap3A_126 = vector.shape_cast %swap3A_125 : vector<1x64x4094xf32> to vector<64x4094xf32>
    %swap3A_127 = vector.shape_cast %slice3A_122 : vector<64x4094xf32> to vector<1x64x4094xf32>
    tpu.vector_store %arg9[%swap3A, %swap3A_123, %swap3A_124], %swap3A_127 {strides = array<i32>} : memref<4x64x4094xf32, #tpu.memory_space<vmem>>, vector<1x64x4094xf32>,
    %get3A_128 = arith.constant 1 : index
    %get3A_129 = arith.constant 0 : index
    %get3A_130 = arith.constant 0 : index
    %get3A_131 = vector.load %arg1[%get3A_128, %get3A_129, %get3A_130] : memref<4x128x4096xf32, #tpu.memory_space<vmem>>, vector<1x128x4096xf32>
    %get3A_132 = vector.shape_cast %get3A_131 : vector<1x128x4096xf32> to vector<128x4096xf32>
    %convert_element_type3A_133 = arith.truncf %get3A_132 : vector<128x4096xf32> to vector<128x4096xbf16>
    %get3A_134 = arith.constant 0 : index
    %get3A_135 = arith.constant 0 : index
    %get3A_136 = arith.constant 0 : index
    %get3A_137 = vector.load %arg2[%get3A_134, %get3A_135, %get3A_136] : memref<3x64x128xf32, #tpu.memory_space<vmem>>, vector<3x64x128xf32>
    %convert_element_type3A_138 = arith.truncf %get3A_137 : vector<3x64x128xf32> to vector<3x64x128xbf16>
    %slice3A_139 = vector.extract_strided_slice %convert_element_type3A_138 {offsets = [0, 0, 0], sizes = [1, 64, 128], strides = [1, 1, 1]} : vector<3x64x128xbf16> to vector<1x64x128xbf16>
    %squeeze3A_140 = vector.shape_cast %slice3A_139 : vector<1x64x128xbf16> to vector<64x128xbf16>
    %dot_general3A_141 = arith.constant dense<0.000000e+00> : vector<64x4096xf32>
    %dot_general3A_142 = tpu.matmul %squeeze3A_140, %convert_element_type3A_133, %dot_general3A_141 {dimension_numbers = #tpu.dot_dimension_numbers<[1], [0], [0], [1], [0, 0, 1, 1], [], []>, transpose_lhs_hint = false} : vector<64x128xbf16>, vector<128x4096xbf16>, vector<64x4096xf32> -> vector<64x4096xf32>
    %slice3A_143 = vector.extract_strided_slice %convert_element_type3A_138 {offsets = [1, 0, 0], sizes = [1, 64, 128], strides = [1, 1, 1]} : vector<3x64x128xbf16> to vector<1x64x128xbf16>
    %squeeze3A_144 = vector.shape_cast %slice3A_143 : vector<1x64x128xbf16> to vector<64x128xbf16>
    %dot_general3A_145 = arith.constant dense<0.000000e+00> : vector<64x4096xf32>
    %dot_general3A_146 = tpu.matmul %squeeze3A_144, %convert_element_type3A_133, %dot_general3A_145 {dimension_numbers = #tpu.dot_dimension_numbers<[1], [0], [0], [1], [0, 0, 1, 1], [], []>, transpose_lhs_hint = false} : vector<64x128xbf16>, vector<128x4096xbf16>, vector<64x4096xf32> -> vector<64x4096xf32>
    %slice3A_147 = vector.extract_strided_slice %convert_element_type3A_138 {offsets = [2, 0, 0], sizes = [1, 64, 128], strides = [1, 1, 1]} : vector<3x64x128xbf16> to vector<1x64x128xbf16>
    %squeeze3A_148 = vector.shape_cast %slice3A_147 : vector<1x64x128xbf16> to vector<64x128xbf16>
    %dot_general3A_149 = arith.constant dense<0.000000e+00> : vector<64x4096xf32>
    %dot_general3A_150 = tpu.matmul %squeeze3A_148, %convert_element_type3A_133, %dot_general3A_149 {dimension_numbers = #tpu.dot_dimension_numbers<[1], [0], [0], [1], [0, 0, 1, 1], [], []>, transpose_lhs_hint = false} : vector<64x128xbf16>, vector<128x4096xbf16>, vector<64x4096xf32> -> vector<64x4096xf32>
    %roll3A_151 = arith.constant 4095 : i32
    %roll3A_152 = tpu.dynamic_rotate %dot_general3A_146 by %roll3A_151 dim 1 : vector<64x4096xf32>, i32 -> vector<64x4096xf32>
    %add3A_153 = arith.addf %dot_general3A_142, %roll3A_152 : vector<64x4096xf32>
    %roll3A_154 = arith.constant 4094 : i32
    %roll3A_155 = tpu.dynamic_rotate %dot_general3A_150 by %roll3A_154 dim 1 : vector<64x4096xf32>, i32 -> vector<64x4096xf32>
    %add3A_156 = arith.addf %add3A_153, %roll3A_155 : vector<64x4096xf32>
    %get3A_157 = arith.constant 0 : index
    %get3A_158 = arith.constant 0 : index
    %get3A_159 = vector.load %arg3[%get3A_157, %get3A_158] : memref<64x1xf32, #tpu.memory_space<vmem>>, vector<64x1xf32>
    %add3A_160 = vector.broadcast %get3A_159 : vector<64x1xf32> to vector<64x4096xf32>
    %add3A_161 = arith.addf %add3A_156, %add3A_160 : vector<64x4096xf32>
    %tanh3A_162 = math.tanh %add3A_161 : vector<64x4096xf32>
    %get3A_163 = arith.constant 1 : index
    %get3A_164 = arith.constant 0 : index
    %get3A_165 = arith.constant 0 : index
    %get3A_166 = vector.load %arg7[%get3A_163, %get3A_164, %get3A_165] : memref<4x4x8xf32, #tpu.memory_space<vmem>>, vector<1x4x8xf32>
    %get3A_167 = vector.shape_cast %get3A_166 : vector<1x4x8xf32> to vector<4x8xf32>
    %get3A_168 = arith.constant 0 : index
    %get3A_169 = arith.constant 0 : index
    %get3A_170 = vector.load %arg6[%get3A_168, %get3A_169] : memref<64x4xf32, #tpu.memory_space<vmem>>, vector<64x4xf32>
    %dot_general3A_171 = arith.constant dense<0.000000e+00> : vector<64x8xf32>
    %dot_general3A_172 = tpu.matmul %get3A_170, %get3A_167, %dot_general3A_171 {dimension_numbers = #tpu.dot_dimension_numbers<[1], [0], [0], [1], [0, 0, 1, 1], [], []>, transpose_lhs_hint = false} : vector<64x4xf32>, vector<4x8xf32>, vector<64x8xf32> -> vector<64x8xf32>
    %broadcast_in_dim3A_173 = arith.constant 0.000000e+00 : f32
    %broadcast_in_dim3A_174 = vector.broadcast %broadcast_in_dim3A_173 : f32 to vector<64x64xf32>
    %get3A_175 = arith.constant 0 : index
    %get3A_176 = arith.constant 0 : index
    %get3A_177 = arith.constant 0 : index
    %get3A_178 = vector.load %arg4[%get3A_175, %get3A_176, %get3A_177] : memref<8x64x64xf32, #tpu.memory_space<vmem>>, vector<1x64x64xf32>
    %get3A_179 = vector.shape_cast %get3A_178 : vector<1x64x64xf32> to vector<64x64xf32>
    %slice3A_180 = vector.extract_strided_slice %dot_general3A_172 {offsets = [0, 0], sizes = [64, 1], strides = [1, 1]} : vector<64x8xf32> to vector<64x1xf32>
    %mul3A_181 = vector.broadcast %slice3A_180 : vector<64x1xf32> to vector<64x64xf32>
    %mul3A_182 = arith.mulf %get3A_179, %mul3A_181 : vector<64x64xf32>
    %add3A_183 = arith.addf %broadcast_in_dim3A_174, %mul3A_182 : vector<64x64xf32>
    %get3A_184 = arith.constant 1 : index
    %get3A_185 = arith.constant 0 : index
    %get3A_186 = arith.constant 0 : index
    %get3A_187 = vector.load %arg4[%get3A_184, %get3A_185, %get3A_186] : memref<8x64x64xf32, #tpu.memory_space<vmem>>, vector<1x64x64xf32>
    %get3A_188 = vector.shape_cast %get3A_187 : vector<1x64x64xf32> to vector<64x64xf32>
    %slice3A_189 = vector.extract_strided_slice %dot_general3A_172 {offsets = [0, 1], sizes = [64, 1], strides = [1, 1]} : vector<64x8xf32> to vector<64x1xf32>
    %mul3A_190 = vector.broadcast %slice3A_189 : vector<64x1xf32> to vector<64x64xf32>
    %mul3A_191 = arith.mulf %get3A_188, %mul3A_190 : vector<64x64xf32>
    %add3A_192 = arith.addf %add3A_183, %mul3A_191 : vector<64x64xf32>
    %get3A_193 = arith.constant 2 : index
    %get3A_194 = arith.constant 0 : index
    %get3A_195 = arith.constant 0 : index
    %get3A_196 = vector.load %arg4[%get3A_193, %get3A_194, %get3A_195] : memref<8x64x64xf32, #tpu.memory_space<vmem>>, vector<1x64x64xf32>
    %get3A_197 = vector.shape_cast %get3A_196 : vector<1x64x64xf32> to vector<64x64xf32>
    %slice3A_198 = vector.extract_strided_slice %dot_general3A_172 {offsets = [0, 2], sizes = [64, 1], strides = [1, 1]} : vector<64x8xf32> to vector<64x1xf32>
    %mul3A_199 = vector.broadcast %slice3A_198 : vector<64x1xf32> to vector<64x64xf32>
    %mul3A_200 = arith.mulf %get3A_197, %mul3A_199 : vector<64x64xf32>
    %add3A_201 = arith.addf %add3A_192, %mul3A_200 : vector<64x64xf32>
    %get3A_202 = arith.constant 3 : index
    %get3A_203 = arith.constant 0 : index
    %get3A_204 = arith.constant 0 : index
    %get3A_205 = vector.load %arg4[%get3A_202, %get3A_203, %get3A_204] : memref<8x64x64xf32, #tpu.memory_space<vmem>>, vector<1x64x64xf32>
    %get3A_206 = vector.shape_cast %get3A_205 : vector<1x64x64xf32> to vector<64x64xf32>
    %slice3A_207 = vector.extract_strided_slice %dot_general3A_172 {offsets = [0, 3], sizes = [64, 1], strides = [1, 1]} : vector<64x8xf32> to vector<64x1xf32>
    %mul3A_208 = vector.broadcast %slice3A_207 : vector<64x1xf32> to vector<64x64xf32>
    %mul3A_209 = arith.mulf %get3A_206, %mul3A_208 : vector<64x64xf32>
    %add3A_210 = arith.addf %add3A_201, %mul3A_209 : vector<64x64xf32>
    %get3A_211 = arith.constant 4 : index
    %get3A_212 = arith.constant 0 : index
    %get3A_213 = arith.constant 0 : index
    %get3A_214 = vector.load %arg4[%get3A_211, %get3A_212, %get3A_213] : memref<8x64x64xf32, #tpu.memory_space<vmem>>, vector<1x64x64xf32>
    %get3A_215 = vector.shape_cast %get3A_214 : vector<1x64x64xf32> to vector<64x64xf32>
    %slice3A_216 = vector.extract_strided_slice %dot_general3A_172 {offsets = [0, 4], sizes = [64, 1], strides = [1, 1]} : vector<64x8xf32> to vector<64x1xf32>
    %mul3A_217 = vector.broadcast %slice3A_216 : vector<64x1xf32> to vector<64x64xf32>
    %mul3A_218 = arith.mulf %get3A_215, %mul3A_217 : vector<64x64xf32>
    %add3A_219 = arith.addf %add3A_210, %mul3A_218 : vector<64x64xf32>
    %get3A_220 = arith.constant 5 : index
    %get3A_221 = arith.constant 0 : index
    %get3A_222 = arith.constant 0 : index
    %get3A_223 = vector.load %arg4[%get3A_220, %get3A_221, %get3A_222] : memref<8x64x64xf32, #tpu.memory_space<vmem>>, vector<1x64x64xf32>
    %get3A_224 = vector.shape_cast %get3A_223 : vector<1x64x64xf32> to vector<64x64xf32>
    %slice3A_225 = vector.extract_strided_slice %dot_general3A_172 {offsets = [0, 5], sizes = [64, 1], strides = [1, 1]} : vector<64x8xf32> to vector<64x1xf32>
    %mul3A_226 = vector.broadcast %slice3A_225 : vector<64x1xf32> to vector<64x64xf32>
    %mul3A_227 = arith.mulf %get3A_224, %mul3A_226 : vector<64x64xf32>
    %add3A_228 = arith.addf %add3A_219, %mul3A_227 : vector<64x64xf32>
    %get3A_229 = arith.constant 6 : index
    %get3A_230 = arith.constant 0 : index
    %get3A_231 = arith.constant 0 : index
    %get3A_232 = vector.load %arg4[%get3A_229, %get3A_230, %get3A_231] : memref<8x64x64xf32, #tpu.memory_space<vmem>>, vector<1x64x64xf32>
    %get3A_233 = vector.shape_cast %get3A_232 : vector<1x64x64xf32> to vector<64x64xf32>
    %slice3A_234 = vector.extract_strided_slice %dot_general3A_172 {offsets = [0, 6], sizes = [64, 1], strides = [1, 1]} : vector<64x8xf32> to vector<64x1xf32>
    %mul3A_235 = vector.broadcast %slice3A_234 : vector<64x1xf32> to vector<64x64xf32>
    %mul3A_236 = arith.mulf %get3A_233, %mul3A_235 : vector<64x64xf32>
    %add3A_237 = arith.addf %add3A_228, %mul3A_236 : vector<64x64xf32>
    %get3A_238 = arith.constant 7 : index
    %get3A_239 = arith.constant 0 : index
    %get3A_240 = arith.constant 0 : index
    %get3A_241 = vector.load %arg4[%get3A_238, %get3A_239, %get3A_240] : memref<8x64x64xf32, #tpu.memory_space<vmem>>, vector<1x64x64xf32>
    %get3A_242 = vector.shape_cast %get3A_241 : vector<1x64x64xf32> to vector<64x64xf32>
    %slice3A_243 = vector.extract_strided_slice %dot_general3A_172 {offsets = [0, 7], sizes = [64, 1], strides = [1, 1]} : vector<64x8xf32> to vector<64x1xf32>
    %mul3A_244 = vector.broadcast %slice3A_243 : vector<64x1xf32> to vector<64x64xf32>
    %mul3A_245 = arith.mulf %get3A_242, %mul3A_244 : vector<64x64xf32>
    %add3A_246 = arith.addf %add3A_237, %mul3A_245 : vector<64x64xf32>
    %get3A_247 = arith.constant 0 : index
    %get3A_248 = arith.constant 0 : index
    %get3A_249 = vector.load %arg5[%get3A_247, %get3A_248] : memref<64x8xf32, #tpu.memory_space<vmem>>, vector<64x8xf32>
    %mul3A_250 = arith.mulf %get3A_249, %dot_general3A_172 : vector<64x8xf32>
    %reduce_sum3A_251 = arith.constant dense<0.000000e+00> : vector<64xf32>
    %reduce_sum3A_252 = vector.multi_reduction <add>, %mul3A_250, %reduce_sum3A_251 [1] : vector<64x8xf32> to vector<64xf32>
    %broadcast_in_dim3A_253 = vector.shape_cast %reduce_sum3A_252 : vector<64xf32> to vector<64x1xf32>
    %dot_general3A_254 = arith.constant dense<0.000000e+00> : vector<64x4096xf32>
    %dot_general3A_255 = tpu.matmul %add3A_246, %tanh3A_162, %dot_general3A_254 {dimension_numbers = #tpu.dot_dimension_numbers<[1], [0], [0], [1], [0, 0, 1, 1], [], []>, transpose_lhs_hint = false} : vector<64x64xf32>, vector<64x4096xf32>, vector<64x4096xf32> -> vector<64x4096xf32>
    %add3A_256 = vector.broadcast %broadcast_in_dim3A_253 : vector<64x1xf32> to vector<64x4096xf32>
    %add3A_257 = arith.addf %dot_general3A_255, %add3A_256 : vector<64x4096xf32>
    %slice3A_258 = vector.extract_strided_slice %add3A_257 {offsets = [0, 0], sizes = [64, 4094], strides = [1, 1]} : vector<64x4096xf32> to vector<64x4094xf32>
    %swap3A_259 = arith.constant 1 : index
    %swap3A_260 = arith.constant 0 : index
    %swap3A_261 = arith.constant 0 : index
    %swap3A_262 = vector.load %arg9[%swap3A_259, %swap3A_260, %swap3A_261] : memref<4x64x4094xf32, #tpu.memory_space<vmem>>, vector<1x64x4094xf32>
    %swap3A_263 = vector.shape_cast %swap3A_262 : vector<1x64x4094xf32> to vector<64x4094xf32>
    %swap3A_264 = vector.shape_cast %slice3A_258 : vector<64x4094xf32> to vector<1x64x4094xf32>
    tpu.vector_store %arg9[%swap3A_259, %swap3A_260, %swap3A_261], %swap3A_264 {strides = array<i32>} : memref<4x64x4094xf32, #tpu.memory_space<vmem>>, vector<1x64x4094xf32>,
    %get3A_265 = arith.constant 2 : index
    %get3A_266 = arith.constant 0 : index
    %get3A_267 = arith.constant 0 : index
    %get3A_268 = vector.load %arg1[%get3A_265, %get3A_266, %get3A_267] : memref<4x128x4096xf32, #tpu.memory_space<vmem>>, vector<1x128x4096xf32>
    %get3A_269 = vector.shape_cast %get3A_268 : vector<1x128x4096xf32> to vector<128x4096xf32>
    %convert_element_type3A_270 = arith.truncf %get3A_269 : vector<128x4096xf32> to vector<128x4096xbf16>
    %get3A_271 = arith.constant 0 : index
    %get3A_272 = arith.constant 0 : index
    %get3A_273 = arith.constant 0 : index
    %get3A_274 = vector.load %arg2[%get3A_271, %get3A_272, %get3A_273] : memref<3x64x128xf32, #tpu.memory_space<vmem>>, vector<3x64x128xf32>
    %convert_element_type3A_275 = arith.truncf %get3A_274 : vector<3x64x128xf32> to vector<3x64x128xbf16>
    %slice3A_276 = vector.extract_strided_slice %convert_element_type3A_275 {offsets = [0, 0, 0], sizes = [1, 64, 128], strides = [1, 1, 1]} : vector<3x64x128xbf16> to vector<1x64x128xbf16>
    %squeeze3A_277 = vector.shape_cast %slice3A_276 : vector<1x64x128xbf16> to vector<64x128xbf16>
    %dot_general3A_278 = arith.constant dense<0.000000e+00> : vector<64x4096xf32>
    %dot_general3A_279 = tpu.matmul %squeeze3A_277, %convert_element_type3A_270, %dot_general3A_278 {dimension_numbers = #tpu.dot_dimension_numbers<[1], [0], [0], [1], [0, 0, 1, 1], [], []>, transpose_lhs_hint = false} : vector<64x128xbf16>, vector<128x4096xbf16>, vector<64x4096xf32> -> vector<64x4096xf32>
    %slice3A_280 = vector.extract_strided_slice %convert_element_type3A_275 {offsets = [1, 0, 0], sizes = [1, 64, 128], strides = [1, 1, 1]} : vector<3x64x128xbf16> to vector<1x64x128xbf16>
    %squeeze3A_281 = vector.shape_cast %slice3A_280 : vector<1x64x128xbf16> to vector<64x128xbf16>
    %dot_general3A_282 = arith.constant dense<0.000000e+00> : vector<64x4096xf32>
    %dot_general3A_283 = tpu.matmul %squeeze3A_281, %convert_element_type3A_270, %dot_general3A_282 {dimension_numbers = #tpu.dot_dimension_numbers<[1], [0], [0], [1], [0, 0, 1, 1], [], []>, transpose_lhs_hint = false} : vector<64x128xbf16>, vector<128x4096xbf16>, vector<64x4096xf32> -> vector<64x4096xf32>
    %slice3A_284 = vector.extract_strided_slice %convert_element_type3A_275 {offsets = [2, 0, 0], sizes = [1, 64, 128], strides = [1, 1, 1]} : vector<3x64x128xbf16> to vector<1x64x128xbf16>
    %squeeze3A_285 = vector.shape_cast %slice3A_284 : vector<1x64x128xbf16> to vector<64x128xbf16>
    %dot_general3A_286 = arith.constant dense<0.000000e+00> : vector<64x4096xf32>
    %dot_general3A_287 = tpu.matmul %squeeze3A_285, %convert_element_type3A_270, %dot_general3A_286 {dimension_numbers = #tpu.dot_dimension_numbers<[1], [0], [0], [1], [0, 0, 1, 1], [], []>, transpose_lhs_hint = false} : vector<64x128xbf16>, vector<128x4096xbf16>, vector<64x4096xf32> -> vector<64x4096xf32>
    %roll3A_288 = arith.constant 4095 : i32
    %roll3A_289 = tpu.dynamic_rotate %dot_general3A_283 by %roll3A_288 dim 1 : vector<64x4096xf32>, i32 -> vector<64x4096xf32>
    %add3A_290 = arith.addf %dot_general3A_279, %roll3A_289 : vector<64x4096xf32>
    %roll3A_291 = arith.constant 4094 : i32
    %roll3A_292 = tpu.dynamic_rotate %dot_general3A_287 by %roll3A_291 dim 1 : vector<64x4096xf32>, i32 -> vector<64x4096xf32>
    %add3A_293 = arith.addf %add3A_290, %roll3A_292 : vector<64x4096xf32>
    %get3A_294 = arith.constant 0 : index
    %get3A_295 = arith.constant 0 : index
    %get3A_296 = vector.load %arg3[%get3A_294, %get3A_295] : memref<64x1xf32, #tpu.memory_space<vmem>>, vector<64x1xf32>
    %add3A_297 = vector.broadcast %get3A_296 : vector<64x1xf32> to vector<64x4096xf32>
    %add3A_298 = arith.addf %add3A_293, %add3A_297 : vector<64x4096xf32>
    %tanh3A_299 = math.tanh %add3A_298 : vector<64x4096xf32>
    %get3A_300 = arith.constant 2 : index
    %get3A_301 = arith.constant 0 : index
    %get3A_302 = arith.constant 0 : index
    %get3A_303 = vector.load %arg7[%get3A_300, %get3A_301, %get3A_302] : memref<4x4x8xf32, #tpu.memory_space<vmem>>, vector<1x4x8xf32>
    %get3A_304 = vector.shape_cast %get3A_303 : vector<1x4x8xf32> to vector<4x8xf32>
    %get3A_305 = arith.constant 0 : index
    %get3A_306 = arith.constant 0 : index
    %get3A_307 = vector.load %arg6[%get3A_305, %get3A_306] : memref<64x4xf32, #tpu.memory_space<vmem>>, vector<64x4xf32>
    %dot_general3A_308 = arith.constant dense<0.000000e+00> : vector<64x8xf32>
    %dot_general3A_309 = tpu.matmul %get3A_307, %get3A_304, %dot_general3A_308 {dimension_numbers = #tpu.dot_dimension_numbers<[1], [0], [0], [1], [0, 0, 1, 1], [], []>, transpose_lhs_hint = false} : vector<64x4xf32>, vector<4x8xf32>, vector<64x8xf32> -> vector<64x8xf32>
    %broadcast_in_dim3A_310 = arith.constant 0.000000e+00 : f32
    %broadcast_in_dim3A_311 = vector.broadcast %broadcast_in_dim3A_310 : f32 to vector<64x64xf32>
    %get3A_312 = arith.constant 0 : index
    %get3A_313 = arith.constant 0 : index
    %get3A_314 = arith.constant 0 : index
    %get3A_315 = vector.load %arg4[%get3A_312, %get3A_313, %get3A_314] : memref<8x64x64xf32, #tpu.memory_space<vmem>>, vector<1x64x64xf32>
    %get3A_316 = vector.shape_cast %get3A_315 : vector<1x64x64xf32> to vector<64x64xf32>
    %slice3A_317 = vector.extract_strided_slice %dot_general3A_309 {offsets = [0, 0], sizes = [64, 1], strides = [1, 1]} : vector<64x8xf32> to vector<64x1xf32>
    %mul3A_318 = vector.broadcast %slice3A_317 : vector<64x1xf32> to vector<64x64xf32>
    %mul3A_319 = arith.mulf %get3A_316, %mul3A_318 : vector<64x64xf32>
    %add3A_320 = arith.addf %broadcast_in_dim3A_311, %mul3A_319 : vector<64x64xf32>
    %get3A_321 = arith.constant 1 : index
    %get3A_322 = arith.constant 0 : index
    %get3A_323 = arith.constant 0 : index
    %get3A_324 = vector.load %arg4[%get3A_321, %get3A_322, %get3A_323] : memref<8x64x64xf32, #tpu.memory_space<vmem>>, vector<1x64x64xf32>
    %get3A_325 = vector.shape_cast %get3A_324 : vector<1x64x64xf32> to vector<64x64xf32>
    %slice3A_326 = vector.extract_strided_slice %dot_general3A_309 {offsets = [0, 1], sizes = [64, 1], strides = [1, 1]} : vector<64x8xf32> to vector<64x1xf32>
    %mul3A_327 = vector.broadcast %slice3A_326 : vector<64x1xf32> to vector<64x64xf32>
    %mul3A_328 = arith.mulf %get3A_325, %mul3A_327 : vector<64x64xf32>
    %add3A_329 = arith.addf %add3A_320, %mul3A_328 : vector<64x64xf32>
    %get3A_330 = arith.constant 2 : index
    %get3A_331 = arith.constant 0 : index
    %get3A_332 = arith.constant 0 : index
    %get3A_333 = vector.load %arg4[%get3A_330, %get3A_331, %get3A_332] : memref<8x64x64xf32, #tpu.memory_space<vmem>>, vector<1x64x64xf32>
    %get3A_334 = vector.shape_cast %get3A_333 : vector<1x64x64xf32> to vector<64x64xf32>
    %slice3A_335 = vector.extract_strided_slice %dot_general3A_309 {offsets = [0, 2], sizes = [64, 1], strides = [1, 1]} : vector<64x8xf32> to vector<64x1xf32>
    %mul3A_336 = vector.broadcast %slice3A_335 : vector<64x1xf32> to vector<64x64xf32>
    %mul3A_337 = arith.mulf %get3A_334, %mul3A_336 : vector<64x64xf32>
    %add3A_338 = arith.addf %add3A_329, %mul3A_337 : vector<64x64xf32>
    %get3A_339 = arith.constant 3 : index
    %get3A_340 = arith.constant 0 : index
    %get3A_341 = arith.constant 0 : index
    %get3A_342 = vector.load %arg4[%get3A_339, %get3A_340, %get3A_341] : memref<8x64x64xf32, #tpu.memory_space<vmem>>, vector<1x64x64xf32>
    %get3A_343 = vector.shape_cast %get3A_342 : vector<1x64x64xf32> to vector<64x64xf32>
    %slice3A_344 = vector.extract_strided_slice %dot_general3A_309 {offsets = [0, 3], sizes = [64, 1], strides = [1, 1]} : vector<64x8xf32> to vector<64x1xf32>
    %mul3A_345 = vector.broadcast %slice3A_344 : vector<64x1xf32> to vector<64x64xf32>
    %mul3A_346 = arith.mulf %get3A_343, %mul3A_345 : vector<64x64xf32>
    %add3A_347 = arith.addf %add3A_338, %mul3A_346 : vector<64x64xf32>
    %get3A_348 = arith.constant 4 : index
    %get3A_349 = arith.constant 0 : index
    %get3A_350 = arith.constant 0 : index
    %get3A_351 = vector.load %arg4[%get3A_348, %get3A_349, %get3A_350] : memref<8x64x64xf32, #tpu.memory_space<vmem>>, vector<1x64x64xf32>
    %get3A_352 = vector.shape_cast %get3A_351 : vector<1x64x64xf32> to vector<64x64xf32>
    %slice3A_353 = vector.extract_strided_slice %dot_general3A_309 {offsets = [0, 4], sizes = [64, 1], strides = [1, 1]} : vector<64x8xf32> to vector<64x1xf32>
    %mul3A_354 = vector.broadcast %slice3A_353 : vector<64x1xf32> to vector<64x64xf32>
    %mul3A_355 = arith.mulf %get3A_352, %mul3A_354 : vector<64x64xf32>
    %add3A_356 = arith.addf %add3A_347, %mul3A_355 : vector<64x64xf32>
    %get3A_357 = arith.constant 5 : index
    %get3A_358 = arith.constant 0 : index
    %get3A_359 = arith.constant 0 : index
    %get3A_360 = vector.load %arg4[%get3A_357, %get3A_358, %get3A_359] : memref<8x64x64xf32, #tpu.memory_space<vmem>>, vector<1x64x64xf32>
    %get3A_361 = vector.shape_cast %get3A_360 : vector<1x64x64xf32> to vector<64x64xf32>
    %slice3A_362 = vector.extract_strided_slice %dot_general3A_309 {offsets = [0, 5], sizes = [64, 1], strides = [1, 1]} : vector<64x8xf32> to vector<64x1xf32>
    %mul3A_363 = vector.broadcast %slice3A_362 : vector<64x1xf32> to vector<64x64xf32>
    %mul3A_364 = arith.mulf %get3A_361, %mul3A_363 : vector<64x64xf32>
    %add3A_365 = arith.addf %add3A_356, %mul3A_364 : vector<64x64xf32>
    %get3A_366 = arith.constant 6 : index
    %get3A_367 = arith.constant 0 : index
    %get3A_368 = arith.constant 0 : index
    %get3A_369 = vector.load %arg4[%get3A_366, %get3A_367, %get3A_368] : memref<8x64x64xf32, #tpu.memory_space<vmem>>, vector<1x64x64xf32>
    %get3A_370 = vector.shape_cast %get3A_369 : vector<1x64x64xf32> to vector<64x64xf32>
    %slice3A_371 = vector.extract_strided_slice %dot_general3A_309 {offsets = [0, 6], sizes = [64, 1], strides = [1, 1]} : vector<64x8xf32> to vector<64x1xf32>
    %mul3A_372 = vector.broadcast %slice3A_371 : vector<64x1xf32> to vector<64x64xf32>
    %mul3A_373 = arith.mulf %get3A_370, %mul3A_372 : vector<64x64xf32>
    %add3A_374 = arith.addf %add3A_365, %mul3A_373 : vector<64x64xf32>
    %get3A_375 = arith.constant 7 : index
    %get3A_376 = arith.constant 0 : index
    %get3A_377 = arith.constant 0 : index
    %get3A_378 = vector.load %arg4[%get3A_375, %get3A_376, %get3A_377] : memref<8x64x64xf32, #tpu.memory_space<vmem>>, vector<1x64x64xf32>
    %get3A_379 = vector.shape_cast %get3A_378 : vector<1x64x64xf32> to vector<64x64xf32>
    %slice3A_380 = vector.extract_strided_slice %dot_general3A_309 {offsets = [0, 7], sizes = [64, 1], strides = [1, 1]} : vector<64x8xf32> to vector<64x1xf32>
    %mul3A_381 = vector.broadcast %slice3A_380 : vector<64x1xf32> to vector<64x64xf32>
    %mul3A_382 = arith.mulf %get3A_379, %mul3A_381 : vector<64x64xf32>
    %add3A_383 = arith.addf %add3A_374, %mul3A_382 : vector<64x64xf32>
    %get3A_384 = arith.constant 0 : index
    %get3A_385 = arith.constant 0 : index
    %get3A_386 = vector.load %arg5[%get3A_384, %get3A_385] : memref<64x8xf32, #tpu.memory_space<vmem>>, vector<64x8xf32>
    %mul3A_387 = arith.mulf %get3A_386, %dot_general3A_309 : vector<64x8xf32>
    %reduce_sum3A_388 = arith.constant dense<0.000000e+00> : vector<64xf32>
    %reduce_sum3A_389 = vector.multi_reduction <add>, %mul3A_387, %reduce_sum3A_388 [1] : vector<64x8xf32> to vector<64xf32>
    %broadcast_in_dim3A_390 = vector.shape_cast %reduce_sum3A_389 : vector<64xf32> to vector<64x1xf32>
    %dot_general3A_391 = arith.constant dense<0.000000e+00> : vector<64x4096xf32>
    %dot_general3A_392 = tpu.matmul %add3A_383, %tanh3A_299, %dot_general3A_391 {dimension_numbers = #tpu.dot_dimension_numbers<[1], [0], [0], [1], [0, 0, 1, 1], [], []>, transpose_lhs_hint = false} : vector<64x64xf32>, vector<64x4096xf32>, vector<64x4096xf32> -> vector<64x4096xf32>
    %add3A_393 = vector.broadcast %broadcast_in_dim3A_390 : vector<64x1xf32> to vector<64x4096xf32>
    %add3A_394 = arith.addf %dot_general3A_392, %add3A_393 : vector<64x4096xf32>
    %slice3A_395 = vector.extract_strided_slice %add3A_394 {offsets = [0, 0], sizes = [64, 4094], strides = [1, 1]} : vector<64x4096xf32> to vector<64x4094xf32>
    %swap3A_396 = arith.constant 2 : index
    %swap3A_397 = arith.constant 0 : index
    %swap3A_398 = arith.constant 0 : index
    %swap3A_399 = vector.load %arg9[%swap3A_396, %swap3A_397, %swap3A_398] : memref<4x64x4094xf32, #tpu.memory_space<vmem>>, vector<1x64x4094xf32>
    %swap3A_400 = vector.shape_cast %swap3A_399 : vector<1x64x4094xf32> to vector<64x4094xf32>
    %swap3A_401 = vector.shape_cast %slice3A_395 : vector<64x4094xf32> to vector<1x64x4094xf32>
    tpu.vector_store %arg9[%swap3A_396, %swap3A_397, %swap3A_398], %swap3A_401 {strides = array<i32>} : memref<4x64x4094xf32, #tpu.memory_space<vmem>>, vector<1x64x4094xf32>,
    %get3A_402 = arith.constant 3 : index
    %get3A_403 = arith.constant 0 : index
    %get3A_404 = arith.constant 0 : index
    %get3A_405 = vector.load %arg1[%get3A_402, %get3A_403, %get3A_404] : memref<4x128x4096xf32, #tpu.memory_space<vmem>>, vector<1x128x4096xf32>
    %get3A_406 = vector.shape_cast %get3A_405 : vector<1x128x4096xf32> to vector<128x4096xf32>
    %convert_element_type3A_407 = arith.truncf %get3A_406 : vector<128x4096xf32> to vector<128x4096xbf16>
    %get3A_408 = arith.constant 0 : index
    %get3A_409 = arith.constant 0 : index
    %get3A_410 = arith.constant 0 : index
    %get3A_411 = vector.load %arg2[%get3A_408, %get3A_409, %get3A_410] : memref<3x64x128xf32, #tpu.memory_space<vmem>>, vector<3x64x128xf32>
    %convert_element_type3A_412 = arith.truncf %get3A_411 : vector<3x64x128xf32> to vector<3x64x128xbf16>
    %slice3A_413 = vector.extract_strided_slice %convert_element_type3A_412 {offsets = [0, 0, 0], sizes = [1, 64, 128], strides = [1, 1, 1]} : vector<3x64x128xbf16> to vector<1x64x128xbf16>
    %squeeze3A_414 = vector.shape_cast %slice3A_413 : vector<1x64x128xbf16> to vector<64x128xbf16>
    %dot_general3A_415 = arith.constant dense<0.000000e+00> : vector<64x4096xf32>
    %dot_general3A_416 = tpu.matmul %squeeze3A_414, %convert_element_type3A_407, %dot_general3A_415 {dimension_numbers = #tpu.dot_dimension_numbers<[1], [0], [0], [1], [0, 0, 1, 1], [], []>, transpose_lhs_hint = false} : vector<64x128xbf16>, vector<128x4096xbf16>, vector<64x4096xf32> -> vector<64x4096xf32>
    %slice3A_417 = vector.extract_strided_slice %convert_element_type3A_412 {offsets = [1, 0, 0], sizes = [1, 64, 128], strides = [1, 1, 1]} : vector<3x64x128xbf16> to vector<1x64x128xbf16>
    %squeeze3A_418 = vector.shape_cast %slice3A_417 : vector<1x64x128xbf16> to vector<64x128xbf16>
    %dot_general3A_419 = arith.constant dense<0.000000e+00> : vector<64x4096xf32>
    %dot_general3A_420 = tpu.matmul %squeeze3A_418, %convert_element_type3A_407, %dot_general3A_419 {dimension_numbers = #tpu.dot_dimension_numbers<[1], [0], [0], [1], [0, 0, 1, 1], [], []>, transpose_lhs_hint = false} : vector<64x128xbf16>, vector<128x4096xbf16>, vector<64x4096xf32> -> vector<64x4096xf32>
    %slice3A_421 = vector.extract_strided_slice %convert_element_type3A_412 {offsets = [2, 0, 0], sizes = [1, 64, 128], strides = [1, 1, 1]} : vector<3x64x128xbf16> to vector<1x64x128xbf16>
    %squeeze3A_422 = vector.shape_cast %slice3A_421 : vector<1x64x128xbf16> to vector<64x128xbf16>
    %dot_general3A_423 = arith.constant dense<0.000000e+00> : vector<64x4096xf32>
    %dot_general3A_424 = tpu.matmul %squeeze3A_422, %convert_element_type3A_407, %dot_general3A_423 {dimension_numbers = #tpu.dot_dimension_numbers<[1], [0], [0], [1], [0, 0, 1, 1], [], []>, transpose_lhs_hint = false} : vector<64x128xbf16>, vector<128x4096xbf16>, vector<64x4096xf32> -> vector<64x4096xf32>
    %roll3A_425 = arith.constant 4095 : i32
    %roll3A_426 = tpu.dynamic_rotate %dot_general3A_420 by %roll3A_425 dim 1 : vector<64x4096xf32>, i32 -> vector<64x4096xf32>
    %add3A_427 = arith.addf %dot_general3A_416, %roll3A_426 : vector<64x4096xf32>
    %roll3A_428 = arith.constant 4094 : i32
    %roll3A_429 = tpu.dynamic_rotate %dot_general3A_424 by %roll3A_428 dim 1 : vector<64x4096xf32>, i32 -> vector<64x4096xf32>
    %add3A_430 = arith.addf %add3A_427, %roll3A_429 : vector<64x4096xf32>
    %get3A_431 = arith.constant 0 : index
    %get3A_432 = arith.constant 0 : index
    %get3A_433 = vector.load %arg3[%get3A_431, %get3A_432] : memref<64x1xf32, #tpu.memory_space<vmem>>, vector<64x1xf32>
    %add3A_434 = vector.broadcast %get3A_433 : vector<64x1xf32> to vector<64x4096xf32>
    %add3A_435 = arith.addf %add3A_430, %add3A_434 : vector<64x4096xf32>
    %tanh3A_436 = math.tanh %add3A_435 : vector<64x4096xf32>
    %get3A_437 = arith.constant 3 : index
    %get3A_438 = arith.constant 0 : index
    %get3A_439 = arith.constant 0 : index
    %get3A_440 = vector.load %arg7[%get3A_437, %get3A_438, %get3A_439] : memref<4x4x8xf32, #tpu.memory_space<vmem>>, vector<1x4x8xf32>
    %get3A_441 = vector.shape_cast %get3A_440 : vector<1x4x8xf32> to vector<4x8xf32>
    %get3A_442 = arith.constant 0 : index
    %get3A_443 = arith.constant 0 : index
    %get3A_444 = vector.load %arg6[%get3A_442, %get3A_443] : memref<64x4xf32, #tpu.memory_space<vmem>>, vector<64x4xf32>
    %dot_general3A_445 = arith.constant dense<0.000000e+00> : vector<64x8xf32>
    %dot_general3A_446 = tpu.matmul %get3A_444, %get3A_441, %dot_general3A_445 {dimension_numbers = #tpu.dot_dimension_numbers<[1], [0], [0], [1], [0, 0, 1, 1], [], []>, transpose_lhs_hint = false} : vector<64x4xf32>, vector<4x8xf32>, vector<64x8xf32> -> vector<64x8xf32>
    %broadcast_in_dim3A_447 = arith.constant 0.000000e+00 : f32
    %broadcast_in_dim3A_448 = vector.broadcast %broadcast_in_dim3A_447 : f32 to vector<64x64xf32>
    %get3A_449 = arith.constant 0 : index
    %get3A_450 = arith.constant 0 : index
    %get3A_451 = arith.constant 0 : index
    %get3A_452 = vector.load %arg4[%get3A_449, %get3A_450, %get3A_451] : memref<8x64x64xf32, #tpu.memory_space<vmem>>, vector<1x64x64xf32>
    %get3A_453 = vector.shape_cast %get3A_452 : vector<1x64x64xf32> to vector<64x64xf32>
    %slice3A_454 = vector.extract_strided_slice %dot_general3A_446 {offsets = [0, 0], sizes = [64, 1], strides = [1, 1]} : vector<64x8xf32> to vector<64x1xf32>
    %mul3A_455 = vector.broadcast %slice3A_454 : vector<64x1xf32> to vector<64x64xf32>
    %mul3A_456 = arith.mulf %get3A_453, %mul3A_455 : vector<64x64xf32>
    %add3A_457 = arith.addf %broadcast_in_dim3A_448, %mul3A_456 : vector<64x64xf32>
    %get3A_458 = arith.constant 1 : index
    %get3A_459 = arith.constant 0 : index
    %get3A_460 = arith.constant 0 : index
    %get3A_461 = vector.load %arg4[%get3A_458, %get3A_459, %get3A_460] : memref<8x64x64xf32, #tpu.memory_space<vmem>>, vector<1x64x64xf32>
    %get3A_462 = vector.shape_cast %get3A_461 : vector<1x64x64xf32> to vector<64x64xf32>
    %slice3A_463 = vector.extract_strided_slice %dot_general3A_446 {offsets = [0, 1], sizes = [64, 1], strides = [1, 1]} : vector<64x8xf32> to vector<64x1xf32>
    %mul3A_464 = vector.broadcast %slice3A_463 : vector<64x1xf32> to vector<64x64xf32>
    %mul3A_465 = arith.mulf %get3A_462, %mul3A_464 : vector<64x64xf32>
    %add3A_466 = arith.addf %add3A_457, %mul3A_465 : vector<64x64xf32>
    %get3A_467 = arith.constant 2 : index
    %get3A_468 = arith.constant 0 : index
    %get3A_469 = arith.constant 0 : index
    %get3A_470 = vector.load %arg4[%get3A_467, %get3A_468, %get3A_469] : memref<8x64x64xf32, #tpu.memory_space<vmem>>, vector<1x64x64xf32>
    %get3A_471 = vector.shape_cast %get3A_470 : vector<1x64x64xf32> to vector<64x64xf32>
    %slice3A_472 = vector.extract_strided_slice %dot_general3A_446 {offsets = [0, 2], sizes = [64, 1], strides = [1, 1]} : vector<64x8xf32> to vector<64x1xf32>
    %mul3A_473 = vector.broadcast %slice3A_472 : vector<64x1xf32> to vector<64x64xf32>
    %mul3A_474 = arith.mulf %get3A_471, %mul3A_473 : vector<64x64xf32>
    %add3A_475 = arith.addf %add3A_466, %mul3A_474 : vector<64x64xf32>
    %get3A_476 = arith.constant 3 : index
    %get3A_477 = arith.constant 0 : index
    %get3A_478 = arith.constant 0 : index
    %get3A_479 = vector.load %arg4[%get3A_476, %get3A_477, %get3A_478] : memref<8x64x64xf32, #tpu.memory_space<vmem>>, vector<1x64x64xf32>
    %get3A_480 = vector.shape_cast %get3A_479 : vector<1x64x64xf32> to vector<64x64xf32>
    %slice3A_481 = vector.extract_strided_slice %dot_general3A_446 {offsets = [0, 3], sizes = [64, 1], strides = [1, 1]} : vector<64x8xf32> to vector<64x1xf32>
    %mul3A_482 = vector.broadcast %slice3A_481 : vector<64x1xf32> to vector<64x64xf32>
    %mul3A_483 = arith.mulf %get3A_480, %mul3A_482 : vector<64x64xf32>
    %add3A_484 = arith.addf %add3A_475, %mul3A_483 : vector<64x64xf32>
    %get3A_485 = arith.constant 4 : index
    %get3A_486 = arith.constant 0 : index
    %get3A_487 = arith.constant 0 : index
    %get3A_488 = vector.load %arg4[%get3A_485, %get3A_486, %get3A_487] : memref<8x64x64xf32, #tpu.memory_space<vmem>>, vector<1x64x64xf32>
    %get3A_489 = vector.shape_cast %get3A_488 : vector<1x64x64xf32> to vector<64x64xf32>
    %slice3A_490 = vector.extract_strided_slice %dot_general3A_446 {offsets = [0, 4], sizes = [64, 1], strides = [1, 1]} : vector<64x8xf32> to vector<64x1xf32>
    %mul3A_491 = vector.broadcast %slice3A_490 : vector<64x1xf32> to vector<64x64xf32>
    %mul3A_492 = arith.mulf %get3A_489, %mul3A_491 : vector<64x64xf32>
    %add3A_493 = arith.addf %add3A_484, %mul3A_492 : vector<64x64xf32>
    %get3A_494 = arith.constant 5 : index
    %get3A_495 = arith.constant 0 : index
    %get3A_496 = arith.constant 0 : index
    %get3A_497 = vector.load %arg4[%get3A_494, %get3A_495, %get3A_496] : memref<8x64x64xf32, #tpu.memory_space<vmem>>, vector<1x64x64xf32>
    %get3A_498 = vector.shape_cast %get3A_497 : vector<1x64x64xf32> to vector<64x64xf32>
    %slice3A_499 = vector.extract_strided_slice %dot_general3A_446 {offsets = [0, 5], sizes = [64, 1], strides = [1, 1]} : vector<64x8xf32> to vector<64x1xf32>
    %mul3A_500 = vector.broadcast %slice3A_499 : vector<64x1xf32> to vector<64x64xf32>
    %mul3A_501 = arith.mulf %get3A_498, %mul3A_500 : vector<64x64xf32>
    %add3A_502 = arith.addf %add3A_493, %mul3A_501 : vector<64x64xf32>
    %get3A_503 = arith.constant 6 : index
    %get3A_504 = arith.constant 0 : index
    %get3A_505 = arith.constant 0 : index
    %get3A_506 = vector.load %arg4[%get3A_503, %get3A_504, %get3A_505] : memref<8x64x64xf32, #tpu.memory_space<vmem>>, vector<1x64x64xf32>
    %get3A_507 = vector.shape_cast %get3A_506 : vector<1x64x64xf32> to vector<64x64xf32>
    %slice3A_508 = vector.extract_strided_slice %dot_general3A_446 {offsets = [0, 6], sizes = [64, 1], strides = [1, 1]} : vector<64x8xf32> to vector<64x1xf32>
    %mul3A_509 = vector.broadcast %slice3A_508 : vector<64x1xf32> to vector<64x64xf32>
    %mul3A_510 = arith.mulf %get3A_507, %mul3A_509 : vector<64x64xf32>
    %add3A_511 = arith.addf %add3A_502, %mul3A_510 : vector<64x64xf32>
    %get3A_512 = arith.constant 7 : index
    %get3A_513 = arith.constant 0 : index
    %get3A_514 = arith.constant 0 : index
    %get3A_515 = vector.load %arg4[%get3A_512, %get3A_513, %get3A_514] : memref<8x64x64xf32, #tpu.memory_space<vmem>>, vector<1x64x64xf32>
    %get3A_516 = vector.shape_cast %get3A_515 : vector<1x64x64xf32> to vector<64x64xf32>
    %slice3A_517 = vector.extract_strided_slice %dot_general3A_446 {offsets = [0, 7], sizes = [64, 1], strides = [1, 1]} : vector<64x8xf32> to vector<64x1xf32>
    %mul3A_518 = vector.broadcast %slice3A_517 : vector<64x1xf32> to vector<64x64xf32>
    %mul3A_519 = arith.mulf %get3A_516, %mul3A_518 : vector<64x64xf32>
    %add3A_520 = arith.addf %add3A_511, %mul3A_519 : vector<64x64xf32>
    %get3A_521 = arith.constant 0 : index
    %get3A_522 = arith.constant 0 : index
    %get3A_523 = vector.load %arg5[%get3A_521, %get3A_522] : memref<64x8xf32, #tpu.memory_space<vmem>>, vector<64x8xf32>
    %mul3A_524 = arith.mulf %get3A_523, %dot_general3A_446 : vector<64x8xf32>
    %reduce_sum3A_525 = arith.constant dense<0.000000e+00> : vector<64xf32>
    %reduce_sum3A_526 = vector.multi_reduction <add>, %mul3A_524, %reduce_sum3A_525 [1] : vector<64x8xf32> to vector<64xf32>
    %broadcast_in_dim3A_527 = vector.shape_cast %reduce_sum3A_526 : vector<64xf32> to vector<64x1xf32>
    %dot_general3A_528 = arith.constant dense<0.000000e+00> : vector<64x4096xf32>
    %dot_general3A_529 = tpu.matmul %add3A_520, %tanh3A_436, %dot_general3A_528 {dimension_numbers = #tpu.dot_dimension_numbers<[1], [0], [0], [1], [0, 0, 1, 1], [], []>, transpose_lhs_hint = false} : vector<64x64xf32>, vector<64x4096xf32>, vector<64x4096xf32> -> vector<64x4096xf32>
    %add3A_530 = vector.broadcast %broadcast_in_dim3A_527 : vector<64x1xf32> to vector<64x4096xf32>
    %add3A_531 = arith.addf %dot_general3A_529, %add3A_530 : vector<64x4096xf32>
    %slice3A_532 = vector.extract_strided_slice %add3A_531 {offsets = [0, 0], sizes = [64, 4094], strides = [1, 1]} : vector<64x4096xf32> to vector<64x4094xf32>
    %swap3A_533 = arith.constant 3 : index
    %swap3A_534 = arith.constant 0 : index
    %swap3A_535 = arith.constant 0 : index
    %swap3A_536 = vector.load %arg9[%swap3A_533, %swap3A_534, %swap3A_535] : memref<4x64x4094xf32, #tpu.memory_space<vmem>>, vector<1x64x4094xf32>
    %swap3A_537 = vector.shape_cast %swap3A_536 : vector<1x64x4094xf32> to vector<64x4094xf32>
    %swap3A_538 = vector.shape_cast %slice3A_532 : vector<64x4094xf32> to vector<1x64x4094xf32>
    tpu.vector_store %arg9[%swap3A_533, %swap3A_534, %swap3A_535], %swap3A_538 {strides = array<i32>} : memref<4x64x4094xf32, #tpu.memory_space<vmem>>, vector<1x64x4094xf32>,
    return
  }
  func.func @transform_0(%arg0: i32) -> (i32, i32, i32) {
    %c0_i32 = arith.constant 0 : i32
    %c0_i32_0 = arith.constant 0 : i32
    %c0_i32_1 = arith.constant 0 : i32
    return %arg0, %c0_i32, %c0_i32_0 : i32, i32, i32
  }
  func.func @transform_1(%arg0: i32) -> (i32, i32, i32) {
    %c0_i32 = arith.constant 0 : i32
    %c0_i32_0 = arith.constant 0 : i32
    %c0_i32_1 = arith.constant 0 : i32
    %c0_i32_2 = arith.constant 0 : i32
    return %c0_i32, %c0_i32_0, %c0_i32_1 : i32, i32, i32
  }
  func.func @transform_2(%arg0: i32) -> (i32, i32) {
    %c0_i32 = arith.constant 0 : i32
    %c0_i32_0 = arith.constant 0 : i32
    %c0_i32_1 = arith.constant 0 : i32
    return %c0_i32, %c0_i32_0 : i32, i32
  }
  func.func @transform_3(%arg0: i32) -> (i32, i32, i32) {
    %c0_i32 = arith.constant 0 : i32
    %c0_i32_0 = arith.constant 0 : i32
    %c0_i32_1 = arith.constant 0 : i32
    %c0_i32_2 = arith.constant 0 : i32
    return %c0_i32, %c0_i32_0, %c0_i32_1 : i32, i32, i32
  }
  func.func @transform_4(%arg0: i32) -> (i32, i32) {
    %c0_i32 = arith.constant 0 : i32
    %c0_i32_0 = arith.constant 0 : i32
    %c0_i32_1 = arith.constant 0 : i32
    return %c0_i32, %c0_i32_0 : i32, i32
  }
  func.func @transform_5(%arg0: i32) -> (i32, i32) {
    %c0_i32 = arith.constant 0 : i32
    %c0_i32_0 = arith.constant 0 : i32
    %c0_i32_1 = arith.constant 0 : i32
    return %c0_i32, %c0_i32_0 : i32, i32
  }
  func.func @transform_6(%arg0: i32) -> (i32, i32, i32) {
    %c0_i32 = arith.constant 0 : i32
    %c0_i32_0 = arith.constant 0 : i32
    %c0_i32_1 = arith.constant 0 : i32
    return %arg0, %c0_i32, %c0_i32_0 : i32, i32, i32
  }
  func.func @transform_7(%arg0: i32) -> (i32, i32, i32) {
    %c0_i32 = arith.constant 0 : i32
    %c0_i32_0 = arith.constant 0 : i32
    %c0_i32_1 = arith.constant 0 : i32
    %c0_i32_2 = arith.constant 0 : i32
    return %c0_i32, %c0_i32_0, %c0_i32_1 : i32, i32, i32
  }
  func.func @transform_8(%arg0: i32) -> (i32, i32, i32) {
    %c0_i32 = arith.constant 0 : i32
    %c0_i32_0 = arith.constant 0 : i32
    %c0_i32_1 = arith.constant 0 : i32
    return %arg0, %c0_i32, %c0_i32_0 : i32, i32, i32
  }
  func.func @transform_9(%arg0: i32) -> (i32, i32) {
    %c0_i32 = arith.constant 0 : i32
    %c0_i32_0 = arith.constant 0 : i32
    %c0_i32_1 = arith.constant 0 : i32
    return %c0_i32, %c0_i32_0 : i32, i32
  }
}

</mosaic_0001>

<sc_bundles>
// kernel: _run.4.cloned.1.call-start
scs
__scs_entry_jumppad:
0x0: {  	(pc) =	sbr.rel $0x88, $3  }
0x1: {  	(tag) =	ssettag $0x0;
	lr =	simm.s32 $0x1  }
0x2: {  	[smem:$0x3F9B] =	sst lr;
	_ =	strace $0xD0000000  }
0x3: {  	_ = 	snop  }
0x4: {  	_ = 	snop  }
0x5: {  	_ = 	snop  }
0x6: {  	_ = 	snop  }
0x7: {  	_ = 	snop  }
__scs_overlays_trampoline_lowered:
0x8: {  	[smem:$0x3FAA] =	sst s0  }
0x9: {  	[smem:$0x3FAB] =	sst s1  }
0xa: {  	[smem:$0x3FAC] =	sst s2  }
0xb: {  	[smem:$0x3FAD] =	sst s3  }
0xc: {  	[smem:$0x3FAE] =	sst s4  }
0xd: {  	[smem:$0x3FAF] =	sst s5  }
0xe: {  	[smem:$0x3FB0] =	sst s6  }
0xf: {  	[smem:$0x3FB1] =	sst s7  }
0x10: {  	[smem:$0x3FB2] =	sst s8  }
0x11: {  	[smem:$0x3FB3] =	sst s9;
	s0 =	simm.s32 @!p0 $0x0  }
0x12: {  	s1 =	sld [smem:$0x3F99];
	s0 =	simm.s32 @p0 $0x1  }
0x13: {  	[smem:$0x3FB4] =	sst s0;
	s0 =	simm.s32 @!p1 $0x0  }
0x14: {  	s2 =	sld [smem:$0x3F98];
	s0 =	simm.s32 @p1 $0x1  }
0x15: {  	[smem:$0x3FB5] =	sst s0;
	s0 =	simm.s32 @!p2 $0x0  }
0x16: {  	s3 =	sld [smem:$0x3FDB];
	s0 =	simm.s32 @p2 $0x1  }
0x17: {  	s4 =	simm.s32 $0x1BF5;
	[smem:$0x3FB7] =	sst s0  }
0x18: {  	s0 =	sld [smem:$0x3F9A];
	_ =	swait.ge [sflag:s4], $0x0  }
0x19: {  	s7 =	sld [smem:$0x3F9B]  }
0x1a: {  	s8 =	sadd.s32 $0xFFFFE003, lr  }
0x1b: {  	s9 =	sadd.s32 $0xFFFFFEF7, lr;
	s5 =	simm.s32 $0xFFFFFFFF;
	p2 =	slt.u32 s8, $0xFFFFF086  }
0x1c: {  	p1 =	slt.u32 s9, $0xF7A;
	s5 =	simm.s32 @!p2 $0x0  }
0x1d: {  	s5 =	simm.s32 @p1 $0x1;
	p0 =	seq.s32 s7, s2  }
0x1e: {  	s7 =	smul.u32 @!p0 $0xF7A, s2;
	p2 =	seq.s32 @!p0 s5, $0x0  }
0x1f: {  	s9 =	smul.u32 $0xF7A, s1;
	s8 =	simm.s32 @!p0 $0x1BF5;
	p2 =	por !p2, p0  }
0x20: {  	[sflag:s8] =	ssyncset.s32 @!p0 $0xFFFFF086;
	s6 =	sadd.s32 @!p0 s3, s7;
	s7 =	simm.s32 @!p0 $0x108  }
0x21: {  	s3 =	sadd.s32 s3, s9;
	s6 =	sadd.s32 @!p0 $0x88, s6;
	s7 =	simm.s32 @p2 $0x1082  }
0x22: {  	[simem:s7], [sflag:s8] =	dma.local @!p0 [hbm:s6], $0xF7A  }
0x23: {  	s9 =	sor.u32 $0xD0000000, s2;
	s6 =	simm.s32 $0x108;
	_ =	swait.ge @!p0 [sflag:s8], $0x0  }
0x24: {  	s3 =	sadd.s32 $0x88, s3;
	s6 =	simm.s32 @!p1 $0x1082;
	[sflag:s4] =	ssyncset.s32 $0xFFFFF086  }
0x25: {  	[simem:s6], [sflag:s4] =	dma.local [hbm:s3], $0xF7A  }
0x26: {  	[smem:$0x3F9B] =	sst s1;
	(tag) =	ssettag s2;
	_ =	strace s9  }
0x27: {  	s1 =	sld [smem:$0x3FAB]  }
0x28: {  	s2 =	sld [smem:$0x3FAC]  }
0x29: {  	s4 =	sld [smem:$0x3FAE]  }
0x2a: {  	p0 =	seq.s32 s5, $0x0;
	s5 =	sld [smem:$0x3FAF]  }
0x2b: {  	s6 =	sld [smem:$0x3FB0]  }
0x2c: {  	s7 =	sld [smem:$0x3FB1]  }
0x2d: {  	s3 =	simm.s32 $0x108;
	s8 =	sld [smem:$0x3FB2]  }
0x2e: {  	s3 =	simm.s32 @!p0 $0x1082;
	s9 =	sld [smem:$0x3FB3]  }
0x2f: {  	lr =	sadd.s32 s0, s3;
	s0 =	sld [smem:$0x3FAA]  }
0x30: {  	s3 =	sld [smem:$0x3FAD]  }
0x31: {  	[smem:$0x3FB6] =	sst s10  }
0x32: {  	s10 =	sld [smem:$0x3FB4];
	_ =	sdelay $0x3  }
0x33: {  	p0 =	seq.s32 s10, $0x1;
	s10 =	sld [smem:$0x3FB6];
	_ =	sdelay $0x3  }
0x34: {  	[smem:$0x3FB6] =	sst s10  }
0x35: {  	s10 =	sld [smem:$0x3FB5];
	_ =	sdelay $0x3  }
0x36: {  	p1 =	seq.s32 s10, $0x1;
	s10 =	sld [smem:$0x3FB6];
	_ =	sdelay $0x3  }
0x37: {  	[smem:$0x3FB6] =	sst s10  }
0x38: {  	s10 =	sld [smem:$0x3FB7]  }
0x39: {  	_ = 	snop;
	(pc) =	sbr.ind lr, $3  }
0x3a: {  	_ = 	snop  }
0x3b: {  	_ = 	snop  }
0x3c: {  	p2 =	seq.s32 s10, $0x1;
	s10 =	sld [smem:$0x3FB6]  }
0x3d: {  	_ =	shalt  }
0x3e: {  	_ =	shalt  }
0x3f: {  	_ =	shalt  }
0x40: {  	_ =	shalt  }
0x41: {  	_ =	shalt  }
0x42: {  	_ =	shalt  }
0x43: {  	_ =	shalt  }
0x44: {  	_ =	shalt  }
0x45: {  	_ =	shalt  }
0x46: {  	_ =	shalt  }
0x47: {  	_ =	shalt  }
0x48: {  	_ =	shalt  }
0x49: {  	_ =	shalt  }
0x4a: {  	_ =	shalt  }
0x4b: {  	_ =	shalt  }
0x4c: {  	_ =	shalt  }
0x4d: {  	_ =	shalt  }
0x4e: {  	_ =	shalt  }
0x4f: {  	_ =	shalt  }
0x50: {  	_ =	shalt  }
0x51: {  	_ =	shalt  }
0x52: {  	_ =	shalt  }
0x53: {  	_ =	shalt  }
0x54: {  	_ =	shalt  }
0x55: {  	_ =	shalt  }
0x56: {  	_ =	shalt  }
0x57: {  	_ =	shalt  }
0x58: {  	_ =	shalt  }
0x59: {  	_ =	shalt  }
0x5a: {  	_ =	shalt  }
0x5b: {  	_ =	shalt  }
0x5c: {  	_ =	shalt  }
0x5d: {  	_ =	shalt  }
0x5e: {  	_ =	shalt  }
0x5f: {  	_ =	shalt  }
0x60: {  	_ =	shalt  }
0x61: {  	_ =	shalt  }
0x62: {  	_ =	shalt  }
0x63: {  	_ =	shalt  }
0x64: {  	_ =	shalt  }
0x65: {  	_ =	shalt  }
0x66: {  	_ =	shalt  }
0x67: {  	_ =	shalt  }
0x68: {  	_ =	shalt  }
0x69: {  	_ =	shalt  }
0x6a: {  	_ =	shalt  }
0x6b: {  	_ =	shalt  }
0x6c: {  	_ =	shalt  }
0x6d: {  	_ =	shalt  }
0x6e: {  	_ =	shalt  }
0x6f: {  	_ =	shalt  }
0x70: {  	_ =	shalt  }
0x71: {  	_ =	shalt  }
0x72: {  	_ =	shalt  }
0x73: {  	_ =	shalt  }
0x74: {  	_ =	shalt  }
0x75: {  	_ =	shalt  }
0x76: {  	_ =	shalt  }
0x77: {  	_ =	shalt  }
0x78: {  	_ =	shalt  }
0x79: {  	_ =	shalt  }
0x7a: {  	_ =	shalt  }
0x7b: {  	_ =	shalt  }
0x7c: {  	_ =	shalt  }
0x7d: {  	_ =	shalt  }
0x7e: {  	_ =	shalt  }
0x7f: {  	_ =	shalt  }
0x80: {  	_ =	shalt  }
0x81: {  	_ =	shalt  }
0x82: {  	_ =	shalt  }
0x83: {  	_ =	shalt  }
0x84: {  	_ =	shalt  }
0x85: {  	_ =	shalt  }
0x86: {  	_ =	shalt  }
0x87: {  	_ =	shalt  }
.Lfunc_end0:
.L_simem_size_0:
called_computation_lowered:
.L_overlay_start_0:
0x88: {  	s2 =	sld [smem:$0x3FD9]  }
0x89: {  	s3 =	sld [smem:$0x3FFE];
	_ =	sdelay $0x1  }
0x8a: {  	s1 =	srdreg.scid  }
0x8b: {  	s0 =	sand.u32 $0x1, s1  }
0x8c: {  	s14 =	sshll.u32 s0, $0xA;
	s2 =	sadd.s32 s3, s2  }
0x8d: {  	s2 =	sadd.s32 s2, s14  }
0x8e: {  	[smem:$0x3FC2] =	sst s2  }
0x8f: {  	_ = 	snop  }
0x90: {  	s2 =	sld [smem:$0x3FD0];
	_ =	sdelay $0x2  }
0x91: {  	s15 =	simm.s32 $0xA;
	s4 =	simm.s32 $0x10  }
0x92: {  	[smem:s4], [sflag:s15] =	dma.local [hbm:s2], $0x1  }
0x93: {  	_ =	swait.eq [sflag:s15], $0x1  }
0x94: {  	[sflag:s15] =	ssyncset.done $0x0  }
0x95: {  	[sflag:s15] =	ssyncadd.s32 $0xFFFFFFFF  }
0x96: {  	s16 =	sld [smem:$0x10];
	(tm) =	ssettm $0x1  }
0x97: {  	s17 =	sld [smem:$0x3FFB];
	_ =	sdelay $0x3  }
0x98: {  	_ =	strace s17  }
0x99: {  	s3 =	sld [smem:$0x3FFC];
	_ =	sdelay $0x3  }
0x9a: {  	_ =	strace s3  }
0x9b: {  	s3 =	sld [smem:$0x3FFD];
	_ =	sdelay $0x3  }
0x9c: {  	_ =	strace s3  }
0x9d: {  	_ =	strace $0x8FFFFFFF  }
0x9e: {  	s18 =	sld [smem:$0x3FDB];
	_ =	sdelay $0x1  }
0x9f: {  	s19 =	simm.s32 $_scs_section_size  }
0xa0: {  	s5 =	simm.s32 $_size__tile_overlayer_lowered;
	s6 =	simm.s32 $_tile_overlayer_lowered  }
0xa1: {  	s22 =	simm.s32 $0x1BFF;
	s21 =	sshll.u32 s6, $0x1;
	s3 =	sadd.s32 s19, s18  }
0xa2: {  	s7 =	simm.s32 $0x0;
	s20 =	sshll.u32 s5, $0x1;
	s5 =	sadd.s32 s21, s3  }
0xa3: {  	[timem:s7], [sflag:s22] =	dma.local [hbm:s5], s20  }
0xa4: {  	_ =	swait.ge [sflag:s22], s20  }
0xa5: {  	s4 =	ssub.s32 $0x0, s20;
	[sflag:s22] =	ssyncset.done $0x0  }
0xa6: {  	[sflag:s22] =	ssyncadd.s32 s4;
	_ =	sdelay $0x1  }
0xa7: {  	s23 =	simm.s32 $0x1B8B  }
0xa8: {  	_ =	swait.ge [sflag:s23], $0x1  }
0xa9: {  	[sflag:s23] =	ssyncset.done $0x0  }
0xaa: {  	s25 =	simm.s32 $0x1B8E;
	s24 =	sld [smem:$0x3FFE];
	[sflag:s23] =	ssyncadd.s32 $0xFFFFFFFF  }
0xab: {  	s26 =	simm.s32 $execute0_lowered;
	[smem:$0x3FD2] =	sst s25  }
0xac: {  	s5 =	sshll.u32 s26, $0x1;
	_ =	strace $0x80000046;
	[dreg:$0x1] =	wrdreg $0xFFFFFFFF  }
0xad: {  	s28 =	simm.s32 $_size_execute0_lowered;
	s3 =	sadd.s32 s3, s5;
	[dreg:$0x0] =	wrdreg $0x0  }
0xae: {  	s5 =	sshll.u32 s28, $0x1;
	[dreg:$0x2] =	wrdreg s3  }
0xaf: {  	[dreg:$0x3] =	wrdreg s5  }
0xb0: {  	[dreg:$0x4] =	wrdreg $0xC0  }
0xb1: {  	_ =	task [dreg:s7], $0x5FFFF  }
0xb2: {  	[dreg:$0x1] =	wrdreg $0xFFFFFFFF  }
0xb3: {  	[dreg:$0x0] =	wrdreg $0x60  }
0xb4: {  	[dreg:$0x2] =	wrdreg s24  }
0xb5: {  	[dreg:$0x3] =	wrdreg s16  }
0xb6: {  	[dreg:$0x4] =	wrdreg $0x9  }
0xb7: {  	_ =	task.clear_ibuf [dreg:s7], $0x5FFFF;
	_ =	strace $0x90000046  }
0xb8: {  	s29 =	simm.s32 $0x9;
	_ =	strace $0x80000048  }
0xb9: {  	_ =	swait.ge [sflag:s29], $0x1  }
0xba: {  	[sflag:s29] =	ssyncadd.s32 $0xFFFFFFFF  }
0xbb: {  	_ =	strace $0x90000048  }
0xbc: {  	_ =	sfence  }
0xbd: {  	s30 =	sld [smem:$0x0];
	_ =	sdelay $0x2  }
0xbe: {  	s31 =	sshll.u32 s1, $0xD;
	s1 =	sshrl.u32 s1, $0x2  }
0xbf: {  	s3 =	sand.u32 $0x4000, s31;
	s1 =	sadd.s32 s1, s30  }
0xc0: {  	s0 =	sor.u32 s3, s0;
	s1 =	sshll.u32 s1, $0x11  }
0xc1: {  	s0 =	sor.u32 s1, s0  }
0xc2: {  	s0 =	sadd.s32 $0x8F2B, s0  }
0xc3: {  	[sflag:s0] =	ssyncadd.remote.s32 $0x1  }
0xc4: {  	_ =	sfence.sel $0xFFFF  }
0xc5: {  	[dreg:$0x0] =	wrdreg $0xFFFFFFFF;
	(pc) =	sbr.abs _section_cstart, $3  }
0xc6: {  	[dreg:$0x1] =	wrdreg $0xFFFFFFFF  }
0xc7: {  	_ =	task.clear_ibuf [dreg:s7], $0x2FFFF;
	_ =	strace $0x9FFFFFFF  }
0xc8: {  	(tm) =	ssettm $0x7FFFFFFF  }
0xc9: {  	_ =	shalt  }
tec
execute0_lowered:
.L_overlay_start_1:
0x0: {  	(tag) =	ssettag $0x1  }
0x1: {  	s1 =	stileid.u32  }
0x2: {  	p0 =	sgt.u32 s1, $0x7  }
.Ltmp0:
0x3: {  	_ = 	snop;
	(pc) =	sbr.rel @p0 .LBB2_5-.Ltmp0, $4  }
0x4: {  	s3 =	rddreg [dreg:$0x0]  }
0x5: {  	s4 =	rddreg [dreg:$0x1];
	s2 =	simm.s32 $0x0  }
0x6: {  	[smem:$0x7FF] =	sst s2  }
0x7: {  	s0 =	rddreg [dreg:$0x2];
	_ =	strace $0x80000047  }
0x8: {  	s5 =	srdreg.scid  }
0x9: {  	s7 =	sshrl.u32 s1, $0x2;
	s5 =	sand.u32 $0x1, s5  }
0xa: {  	s8 =	sshll.u32 s1, $0x7;
	s10 =	sadd.s32 $0x1A00, s3;
	s6 =	sshll.u32 s5, $0x1  }
0xb: {  	s26 =	sand.u32 $0x180, s8;
	s8 =	simm.s32 $0x200;
	s6 =	sadd.s32 s7, s6  }
0xc: {  	s11 =	sadd.s32 s26, s3;
	s5 =	ssub.s32 $0x2, s5;
	s9 =	smul.u32 $0x2800, s6  }
0xd: {  	s31 =	sshrl.u32 s5, $0x1;
	s28 =	sshll.u32 s6, $0x4;
	s29 =	sshll.u32 s6, $0x9  }
0xe: {  	s7 =	ssub.s32 s5, s31;
	s3 =	sadd.s32 s4, s28;
	s30 =	sor.u32 s26, s9  }
0xf: {  	s4 =	sadd.s32 s29, s11;
	s11 =	simm.s32 $0x0;
	s6 =	sshrl.u32 s30, $0x3  }
0x10: {  	s4 =	sadd.s32 $0x2E00, s4;
	s9 =	simm.s32 $0x1;
	s5 =	sadd.s32 s10, s6  }
0x11: {  	v0 =	vimm.s32 $0x0;
	s6 =	smax.u32 s7, $0x1;
	s7 =	simm.s32 $0x80;
	s10 =	simm.s32 $0x5A00  }
.LBB2_2:
0x12: {  	s12 =	simm.s32 $0x0  }
0x13: {  	[tilespmem:s12], [sflag:$0x1] =	stream.strided.gather [hbm4b:s5+s7], $0xA00, s8, s7, $0x38;
	[tilespmem:$0x5E00] =	vst v63  }
0x14: {  	_ =	swait.ge [sflag:s9], $0xA00  }
0x15: {  	[sflag:s9] =	ssyncset.done $0x0  }
0x16: {  	s13 =	simm.s32 $0xA00;
	[sflag:s9] =	ssyncadd.s32 $0xFFFFF600  }
0x17: {  	[tilespmem:s13], [sflag:$0x1] =	stream.strided.gather [hbm4b:s3+s7], $0x5000, s8, s7, $0x38;
	[tilespmem:$0x5E00] =	vst v63  }
0x18: {  	_ =	swait.ge [sflag:s9], $0x5000  }
0x19: {  	[sflag:s9] =	ssyncset.done $0x0  }
0x1a: {  	[sflag:s9] =	ssyncadd.s32 $0xFFFFB000  }
0x1b: {  	v1 =	vld [tilespmem:s13+$0x0]  }
0x1c: {  	v2 =	vld [tilespmem:s12+$0x0];
	s12 =	sand.u32 $0xFF0, s12  }
0x1d: {  	v3 =	vld [tilespmem:s12+$0x5000]  }
0x1e: {  	v4 =	vld [tilespmem:s12+$0x1400]  }
0x1f: {  	v6 =	vld [tilespmem:s12+$0x1E00]  }
0x20: {  	v7 =	vld [tilespmem:s12+$0x2800];
	_ =	sdelay $0x1  }
0x21: {  	v5 =	vimm.f32 $0.0e+00;
	v13 =	vld [tilespmem:s12+$0x3200]  }
0x22: {  	v9 =	vimm.f32 $0.0e+00;
	v12 =	vld [tilespmem:s12+$0x3C00];
	v1 =	vmul.f32 v1, v2;
	v8 =	vmul.f32 v3, v2  }
0x23: {  	v11 =	vimm.f32 $0.0e+00;
	v10 =	vld [tilespmem:s12+$0x4600];
	s12 =	simm.s32 $0xA10;
	v4 =	vmul.f32 v4, v2;
	v15 =	vmul.f32 v6, v2  }
0x24: {  	s14 =	simm.s32 $0x10;
	v14 =	vld [tilespmem:s12+$0x0];
	v16 =	vmul.f32 v7, v2;
	v6 =	vimm.f32 $0.0e+00;
	v3 =	vadd.f32 v1, v5  }
0x25: {  	s15 =	simm.s32 $0x20;
	s13 =	sand.u32 $0xFF0, s14;
	v7 =	vld [tilespmem:s14+$0x0];
	v1 =	vadd.f32 v8, v5;
	v4 =	vadd.f32 v4, v5;
	v8 =	vimm.f32 $0.0e+00  }
.LBB2_3:
0x26: {  	p0 =	sne.s32 s15, $0x9F0;
	v17 =	vld [tilespmem:s13+$0x5000];
	v5 =	vadd.f32 v15, v5;
	v13 =	vmul.f32 v13, v2  }
0x27: {  	v15 =	vld [tilespmem:s13+$0x1400];
	v9 =	vadd.f32 v16, v9;
	v12 =	vmul.f32 v12, v2  }
0x28: {  	v16 =	vld [tilespmem:s13+$0x1E00];
	v11 =	vadd.f32 v13, v11;
	v19 =	vmul.f32 v10, v2  }
0x29: {  	v18 =	vld [tilespmem:s13+$0x2800];
	v8 =	vadd.f32 v12, v8  }
.Ltmp1:
0x2a: {  	v10 =	vmul.f32 v14, v7;
	v13 =	vld [tilespmem:s13+$0x3200];
	v6 =	vadd.f32 v19, v6;
	v2 =	vmov v7;
	(pc) =	sbr.rel @p0 .LBB2_3-.Ltmp1, $4  }
0x2b: {  	v12 =	vld [tilespmem:s13+$0x3C00];
	v7 =	vmul.f32 v17, v2  }
0x2c: {  	s12 =	sadd.s32 $0x10, s12;
	v3 =	vadd.f32 v10, v3;
	v17 =	vmul.f32 v15, v2;
	v10 =	vld [tilespmem:s13+$0x4600]  }
0x2d: {  	s14 =	sadd.s32 $0x10, s14;
	v14 =	vld [tilespmem:s12+$0x0];
	v15 =	vmul.f32 v16, v2;
	v1 =	vadd.f32 v7, v1  }
0x2e: {  	s13 =	sand.u32 $0xFF0, s15;
	s15 =	sadd.s32 $0x10, s15;
	v7 =	vld [tilespmem:s14+$0x0];
	v4 =	vadd.f32 v17, v4;
	v16 =	vmul.f32 v18, v2  }
0x2f: {  	v17 =	vld [tilespmem:s13+$0x1400]  }
0x30: {  	v18 =	vld [tilespmem:s13+$0x1E00]  }
0x31: {  	v19 =	vld [tilespmem:s13+$0x2800]  }
0x32: {  	v13 =	vmul.f32 v13, v2;
	v20 =	vld [tilespmem:s13+$0x3200]  }
0x33: {  	v5 =	vadd.f32 v15, v5;
	v27 =	vld [tilespmem:s13+$0x3C00];
	v9 =	vadd.f32 v16, v9;
	v12 =	vmul.f32 v12, v2  }
0x34: {  	v30 =	vld [tilespmem:s13+$0x4600];
	v11 =	vadd.f32 v13, v11;
	v28 =	vmul.f32 v14, v7;
	v29 =	vmul.f32 v17, v7  }
0x35: {  	v31 =	vld [tilespmem:s13+$0x5000];
	v2 =	vmul.f32 v10, v2;
	v8 =	vadd.f32 v12, v8;
	v32 =	vmul.f32 v18, v7  }
0x36: {  	v33 =	vmul.f32 v19, v7;
	v3 =	vadd.f32 v28, v3;
	v4 =	vadd.f32 v29, v4  }
0x37: {  	v2 =	vadd.f32 v2, v6;
	v34 =	vmul.f32 v20, v7;
	v5 =	vadd.f32 v32, v5  }
0x38: {  	v35 =	vmul.f32 v27, v7;
	v9 =	vadd.f32 v33, v9;
	v36 =	vmax.f32 v3, v4  }
0x39: {  	v37 =	vmul.f32 v30, v7;
	v6 =	vadd.f32 v34, v11;
	v13 =	vmax.f32 v36, v5  }
0x3a: {  	v38 =	vmul.f32 v31, v7;
	v8 =	vadd.f32 v35, v8;
	v39 =	vmax.f32 v13, v9  }
0x3b: {  	v2 =	vadd.f32 v37, v2;
	v10 =	vmax.f32 v39, v6  }
0x3c: {  	v1 =	vadd.f32 v38, v1;
	v40 =	vmax.f32 v10, v8  }
0x3d: {  	v7 =	vmax.f32 v40, v2  }
0x3e: {  	v7 =	vmax.f32 v7, v1  }
0x3f: {  	v3 =	vsub.f32 v3, v7  }
0x40: {  	v4 =	vsub.f32 v4, v7  }
0x41: {  	v5 =	vsub.f32 v5, v7;
	v3 =	vmul.f32 $1.442695020e+00, v3  }
0x42: {  	v4 =	vmul.f32 $1.442695020e+00, v4  }
0x43: {  	v41 =	vsub.f32 v9, v7;
	(erf) = vpow2.f32 v3;
	v3 =	vmul.f32 $1.442695020e+00, v5  }
0x44: {  	(erf) = vpow2.f32 v4  }
0x45: {  	v42 =	vsub.f32 v6, v7;
	(erf) = vpow2.f32 v3;
	v3 =	vmul.f32 $1.442695020e+00, v41;
	_ =	sdelay $0x1  }
0x46: {  	v43 =	vsub.f32 v8, v7;
	(erf) = vpow2.f32 v3;
	v3 =	vmul.f32 $1.442695020e+00, v42;
	_ =	sdelay $0x1  }
0x47: {  	(erf) = vpow2.f32 v3;
	v3 =	vmul.f32 $1.442695020e+00, v43  }
0x48: {  	v2 =	vsub.f32 v2, v7;
	_ =	sdelay $0x1  }
0x49: {  	v2 =	vmul.f32 $1.442695020e+00, v2;
	v44 =	vpop (erf)  }
0x4a: {  	v1 =	vsub.f32 v1, v7;
	(erf) = vpow2.f32 v3;
	v3 =	vpop (erf)  }
0x4b: {  	(erf) = vpow2.f32 v2;
	v2 =	vadd.f32 v3, v44  }
0x4c: {  	v1 =	vmul.f32 $1.442695020e+00, v1  }
0x4d: {  	v45 =	vpop (erf)  }
0x4e: {  	(erf) = vpow2.f32 v1;
	v1 =	vadd.f32 v2, v45  }
0x4f: {  	v2 =	vpop (erf)  }
0x50: {  	v1 =	vadd.f32 v1, v2  }
0x51: {  	v46 =	vpop (erf)  }
0x52: {  	v1 =	vadd.f32 v1, v46  }
0x53: {  	v47 =	vpop (erf)  }
0x54: {  	v1 =	vadd.f32 v1, v47  }
0x55: {  	v48 =	vpop (erf)  }
0x56: {  	v1 =	vadd.f32 v1, v48  }
0x57: {  	v49 =	vpop (erf)  }
0x58: {  	v1 =	vadd.f32 v1, v49;
	_ =	sdelay $0x1  }
0x59: {  	(erf) = vrcp.f32 v1;
	_ =	sdelay $0x8  }
0x5a: {  	v1 =	vpop (erf)  }
0x5b: {  	v4 =	vmul.f32 v1, v44;
	v3 =	vmul.f32 v1, v3;
	_ =	sdelay $0x1  }
0x5c: {  	vm2 =	vgt.f32 v3, v4;
	vm3 =	vgt.f32 v3, $-1.000000000e+00  }
0x5d: {  	v5 =	vmul.f32 v1, v45;
	vm5 =	vmneg vm2;
	v50 =	vnsel vm3, $0xBF800000, v3  }
0x5e: {  	v10 =	vsel vm5, v50, v4  }
0x5f: {  	v3 =	vsel vm5, v4, v3;
	vm6 =	vgt.f32 v5, v10  }
0x60: {  	v2 =	vmul.f32 v1, v2;
	vm4 =	vgt.f32 v5, v3;
	v51 =	vsel vm6, v5, v10  }
0x61: {  	v4 =	vsel vm4, v3, v51  }
0x62: {  	v3 =	vsel vm4, v5, v3;
	vm8 =	vgt.f32 v2, v4  }
0x63: {  	v52 =	vmul.f32 v1, v46;
	vm7 =	vgt.f32 v2, v3;
	v4 =	vsel vm8, v2, v4  }
0x64: {  	v4 =	vsel vm7, v3, v4  }
0x65: {  	v2 =	vsel vm7, v2, v3;
	vm10 =	vgt.f32 v52, v4  }
0x66: {  	v3 =	vmul.f32 v1, v47;
	vm9 =	vgt.f32 v52, v2;
	v4 =	vsel vm10, v52, v4  }
0x67: {  	v4 =	vsel vm9, v2, v4  }
0x68: {  	v2 =	vsel vm9, v52, v2;
	vm12 =	vgt.f32 v3, v4  }
0x69: {  	v53 =	vmul.f32 v1, v48;
	vm11 =	vgt.f32 v3, v2;
	v4 =	vsel vm12, v3, v4  }
0x6a: {  	v4 =	vsel vm11, v2, v4  }
0x6b: {  	v2 =	vsel vm11, v3, v2;
	vm13 =	vgt.f32 v53, v4  }
0x6c: {  	v1 =	vmul.f32 v1, v49;
	vm1 =	vgt.f32 v53, v2;
	v3 =	vsel vm13, v53, v4  }
0x6d: {  	v3 =	vsel vm1, v2, v3;
	v2 =	vsel vm1, v53, v2  }
0x6e: {  	vm0 =	vgt.f32 v1, v2;
	vm14 =	vgt.f32 v1, v3  }
0x6f: {  	vm0 =	vmneg vm0;
	v3 =	vsel vm14, v1, v3  }
0x70: {  	v3 =	vsel vm0, v3, v2;
	v1 =	vsel vm0, v2, v1  }
0x71: {  	vm3 =	vmand vm5, vm3;
	v2 =	vadd.f32 v3, v1  }
0x72: {  	v54 =	vsel vm3, $0x1, v0  }
0x73: {  	v55 =	vsel vm2, $0x1, v0;
	v4 =	vsel vm6, $0x2, v54;
	v2 =	vadd.f32 $9.999999970e-07, v2  }
0x74: {  	v4 =	vsel vm4, v55, v4  }
0x75: {  	v4 =	vsel vm8, $0x3, v4;
	(erf) = vrcp.f32 v2;
	v2 =	vsel vm4, $0x2, v55  }
0x76: {  	v4 =	vsel vm7, v2, v4  }
0x77: {  	v2 =	vsel vm7, $0x3, v2;
	v4 =	vsel vm10, $0x4, v4  }
0x78: {  	v4 =	vsel vm9, v2, v4  }
0x79: {  	v2 =	vsel vm9, $0x4, v2;
	v4 =	vsel vm12, $0x5, v4  }
0x7a: {  	v4 =	vsel vm11, v2, v4  }
0x7b: {  	v2 =	vsel vm11, $0x5, v2;
	v4 =	vsel vm13, $0x6, v4  }
0x7c: {  	v4 =	vsel vm1, v2, v4  }
0x7d: {  	v2 =	vsel vm1, $0x6, v2;
	v4 =	vsel vm14, $0x7, v4  }
0x7e: {  	vm1 =	vmand vm1, vm0;
	v56 =	vpop (erf);
	v4 =	vsel vm0, v4, v2  }
0x7f: {  	v2 =	vnsel vm0, $0x7, v2;
	v3 =	vmul.f32 v56, v3;
	v1 =	vmul.f32 v56, v1  }
0x80: {  	vm12 =	veq.s32 v4, $0x0;
	vm13 =	veq.s32 v2, $0x0;
	vm14 =	veq.s32 v4, $0x1  }
0x81: {  	vm15 =	veq.s32 v4, $0x2;
	vm6 =	veq.s32 v2, $0x1;
	vm7 =	veq.s32 v2, $0x2  }
0x82: {  	vm8 =	veq.s32 v4, $0x3;
	vm9 =	veq.s32 v2, $0x3;
	v57 =	vnsel vm12, $0x0, v3  }
0x83: {  	vm10 =	veq.s32 v4, $0x4;
	v58 =	vnsel vm14, $0x0, v3;
	v5 =	vsel vm13, v1, v57  }
0x84: {  	vm11 =	veq.s32 v4, $0x5;
	v59 =	vnsel vm15, $0x0, v3;
	v6 =	vsel vm6, v1, v58;
	[tilespmem:$0x5A00] =	vst v5  }
0x85: {  	v61 =	vnsel vm10, $0x0, v3;
	vm12 =	veq.s32 v2, $0x4;
	v7 =	vsel vm7, v1, v59;
	[tilespmem:$0x5A80] =	vst v6  }
0x86: {  	v60 =	vnsel vm8, $0x0, v3;
	vm13 =	veq.s32 v2, $0x5;
	v2 =	vsel vm12, v1, v61;
	[tilespmem:$0x5B00] =	vst v7  }
0x87: {  	v62 =	vnsel vm11, $0x0, v3;
	vm14 =	veq.s32 v4, $0x6;
	v5 =	vsel vm9, v1, v60;
	[tilespmem:$0x5C00] =	vst v2  }
0x88: {  	vm15 =	veq.s32 v4, $0x7;
	v63 =	vsel vm13, v1, v62;
	v2 =	vnsel vm14, $0x0, v3;
	[tilespmem:$0x5B80] =	vst v5  }
0x89: {  	s11 =	sadd.s32 $0x1, s11;
	v3 =	vnsel vm15, $0x0, v3;
	[tilespmem:$0x5C80] =	vst v63;
	v2 =	vsel vm1, v1, v2  }
0x8a: {  	p0 =	sne.s32 s11, s6;
	v1 =	vsel vm0, v3, v1;
	[tilespmem:$0x5D00] =	vst v2  }
.Ltmp2:
0x8b: {  	[tilespmem:$0x5D80] =	vst v1;
	(pc) =	sbr.rel @p0 .LBB2_2-.Ltmp2, $4  }
0x8c: {  	[hbm4b:s4+s2] =	stream.linear.scatter [tilespmem:s10], [sflag:$0x1], $0x400, $0x38;
	[tilespmem:$0x5E00] =	vst v63  }
0x8d: {  	_ =	swait.ge [sflag:s9], $0x400  }
0x8e: {  	[sflag:s9] =	ssyncset.done $0x0  }
0x8f: {  	[sflag:s9] =	ssyncadd.s32 $0xFFFFFC00  }
.LBB2_5:
0x90: {  	_ =	sfence.sel $0x180000  }
0x91: {  	[bflag:$0x0] =	sbarrier.arrive $0xFFFF  }
0x92: {  	p0 =	sne.s32 s1, $0x0;
	_ =	strace $0x90000047  }
0x93: {  	s0 =	sadd.s32 @!p0 $0x100000, s0;
	[bflag:$0x2] =	sbarrier.arrive $0xFFFF  }
0x94: {  	[sflag:s0] =	ssyncadd.tile.s32 @!p0 $0x1;
	_ =	shalt  }
.Lfunc_end2:
_tile_overlayer_lowered:
.L_overlay_start_2:
0x95: {  	(tag) =	ssettag $0x2  }
0x96: {  	s0 =	rddreg [dreg:$0x0];
	s2 =	stileid.u32  }
0x97: {  	s1 =	rddreg [dreg:$0x1];
	p0 =	sne.s32 s2, $0x0  }
0x98: {  	s3 =	rddreg [dreg:$0x2];
	[bflag:$0x3] =	sbarrier.arrive $0xFFFF;
	s2 =	simm.s32 @!p0 $0x1C01  }
0x99: {  	[timem:s3], [sflag:s2] =	dma.local @!p0 [hbm:s0], s1  }
0x9a: {  	s0 =	simm.s32 @!p0 $0x1  }
0x9b: {  	_ =	swait.ge @!p0 [sflag:s0], s1  }
0x9c: {  	s1 =	ssub.s32 @!p0 $0x0, s1;
	[sflag:s0] =	ssyncset.done @!p0 $0x0  }
0x9d: {  	[sflag:s0] =	ssyncadd.s32 @!p0 s1  }
0x9e: {  	[bflag:$0x3] =	sbarrier.arrive $0xFFFF  }
0x9f: {  	_ =	shalt  }

</sc_bundles>
